<compile_context>
chip_gen: v7x
topology: tpu7x:2x2x1
jax: 0.10.2.dev20260603
libtpu: 0.0.44.dev20260713+nightly
codegen_flags: <defaults>
</compile_context>

<pallas_src>
import functools

import jax
import jax.numpy as jnp
from jax import lax
from jax.experimental import pallas as pl
from jax.experimental.pallas import tpu as pltpu
from jax.experimental.pallas import tpu_sc as plsc

VOCAB = 256
SEQ_LEN = 3
BATCH = 4096

NC = 2
NS = 16
L = 16
NW = NC * NS
BPW = BATCH // NW
NV = BPW // L

GRID = 8


@functools.partial(
    pl.kernel,
    mesh=plsc.VectorSubcoreMesh(core_axis_name="c", subcore_axis_name="s"),
    out_type=jax.ShapeDtypeStruct((NW, L), jnp.float32),
    scratch_types=[
        pltpu.VMEM((SEQ_LEN, BPW), jnp.int32),
        pltpu.VMEM((BPW,), jnp.int32),
        pltpu.VMEM((BPW, VOCAB), jnp.float32),
        pltpu.VMEM((1, L), jnp.float32),
        pltpu.SemaphoreType.DMA,
    ],
)
def _sc_gather(tcols_hbm, wrows_hbm, out_hbm, t_v, q_v, rows_v,
               acc_v, sem):
    wid = lax.axis_index("s") * NC + lax.axis_index("c")
    base = wid * BPW
    pltpu.sync_copy(tcols_hbm.at[:, pl.ds(base, BPW)], t_v)
    iota = lax.iota(jnp.int32, L)

    def _qbody(j, carry):
        sl = pl.ds(pl.multiple_of(j * L, L), L)
        t0 = t_v[0, sl]
        t1 = t_v[1, sl]
        q_v[sl] = t0 * VOCAB + t1
        return carry

    lax.fori_loop(0, NV, _qbody, 0)
    pltpu.async_copy(wrows_hbm.at[q_v], rows_v, sem).wait()

    def _sbody(j, acc):
        sl = pl.ds(pl.multiple_of(j * L, L), L)
        t2g = t_v[2, sl]
        gvec = lax.shift_right_logical(t2g, 4) * L
        lanevec = lax.bitwise_and(t2g, L - 1)
        for i in range(L):
            seg = rows_v[j * L + i, pl.ds(pl.multiple_of(gvec[i], L), L)]
            acc = acc + jnp.where(iota == lanevec[i], seg, 0.0)
        return acc

    acc = lax.fori_loop(0, NV, _sbody, jnp.zeros((L,), jnp.float32))
    acc_v[0, :] = acc
    pltpu.sync_copy(acc_v, out_hbm.at[pl.ds(wid, 1), :])


def _tc_body(w_ref, out_ref):
    i = pl.program_id(0)

    @pl.when(i == 0)
    def _init():
        out_ref[0, 0] = 0.0

    out_ref[0, 0] += jnp.sum(jnp.exp(w_ref[...]))

    @pl.when(i == pl.num_programs(0) - 1)
    def _finish():
        out_ref[0, 0] = jnp.log(out_ref[0, 0])


def kernel(target, W):
    tcols = target.astype(jnp.int32).T
    wrows = W.reshape(VOCAB * VOCAB, VOCAB)
    log_z = pl.pallas_call(
        _tc_body,
        grid=(GRID,),
        in_specs=[
            pl.BlockSpec((VOCAB // GRID, VOCAB, VOCAB), lambda i: (i, 0, 0)),
        ],
        out_specs=pl.BlockSpec(memory_space=pltpu.SMEM),
        out_shape=jax.ShapeDtypeStruct((1, 1), jnp.float32),
    )(W)
    partials = _sc_gather(tcols, wrows)
    return log_z[0, 0] - jnp.sum(partials) * (1.0 / BATCH)

# --- scband reference (transcript-rebuilt; emitter-appended) ---
"""Pipeline reference for scband-fjdlayer-2817498546716 (READ-ONLY COPY).

The authoritative reference and input builder live on the scoring server;
editing this copy changes nothing except your own understanding.
"""

import jax, jax.numpy as jnp
import numpy as np

VOCAB = 256
SEQ_LEN = 3
BATCH = 4096

def setup_inputs(seed: int = 0) -> dict:
    key = jax.random.key(seed)
    k1, k2 = jax.random.split(key)
    W = jax.random.normal(k1, (VOCAB,) * SEQ_LEN, dtype=jnp.float32)
    target = jax.random.randint(k2, (BATCH, SEQ_LEN), 0, VOCAB, dtype=jnp.int64)
    return {"target": target, "W": W}

def reference(target, W):
    # precond_func for norm_method='softmax' is exp
    precond_applied = jnp.exp(W)
    # batched_index_select: pick joint entry W[t0, t1, t2] per batch row
    idx = tuple(target[:, i] for i in range(SEQ_LEN))
    batch_unnorm_probs = precond_applied[idx]  # shape (BATCH,)
    norm_consts = precond_applied.sum()
    loss = (-jnp.log(batch_unnorm_probs) + jnp.log(norm_consts)).mean()
    return loss

if __name__ == "__main__":
    import jax
    _d = setup_inputs()
    print(jax.jit(kernel)(*tuple(_d.values())))

</pallas_src>

<mosaic_0001>
#map = affine_map<(d0, d1) -> (0, 0)>
module attributes {stable_mosaic.version = 14 : i64} {
  func.func @_sc_gather(%arg0: i32, %arg1: i32, %arg2: memref<3x4096xi32, #tpu.memory_space<hbm>>, %arg3: memref<65536x256xf32, #tpu.memory_space<hbm>>, %arg4: memref<32x16xf32, #tpu.memory_space<hbm>>, %arg5: memref<3x128xi32, #tpu.memory_space<vmem>>, %arg6: memref<128xi32, #tpu.memory_space<vmem>>, %arg7: memref<128x256xf32, #tpu.memory_space<vmem>>, %arg8: memref<1x16xf32, #tpu.memory_space<vmem>>, %arg9: memref<!tpu.dma_semaphore, #tpu.memory_space<semaphore_mem>>) attributes {dimension_semantics = [#tpu.dimension_semantics<core_parallel>, #tpu.dimension_semantics<subcore_parallel>], iteration_bounds = array<i64: 2, 16>, scalar_prefetch = 0 : i64, scratch_operands = 5 : i64, tpu.core_type = #tpu.core_type<sc_vector_subcore>, window_params = [{transform_indices = #map}, {transform_indices = #map}, {transform_indices = #map}]} {
    %mul3A = arith.constant 2 : i32
    %mul3A_0 = arith.muli %arg1, %mul3A : i32
    %add3A = arith.addi %mul3A_0, %arg0 : i32
    %mul3A_1 = arith.constant 128 : i32
    %mul3A_2 = arith.muli %add3A, %mul3A_1 : i32
    "tpu.region"() ({
      %run_scoped3A = tpu.sem_alloc : memref<!tpu.dma_semaphore, #tpu.memory_space<semaphore_mem>>
      %dma_start3A_24 = arith.constant 0 : i32
      %dma_start3A_25 = tpu.memref_slice %arg2[%dma_start3A_24, %mul3A_2] : memref<3x4096xi32, #tpu.memory_space<hbm>> -> memref<3x128xi32, #tpu.memory_space<hbm>>
      %dma_start3A_26 = arith.constant 0 : i32
      %dma_start3A_27 = tpu.memref_slice %arg2[%dma_start3A_26, %mul3A_2] : memref<3x4096xi32, #tpu.memory_space<hbm>> -> memref<3x128xi32, #tpu.memory_space<hbm>>
      tpu.enqueue_dma source(%dma_start3A_27 : memref<3x128xi32, #tpu.memory_space<hbm>>) target(%arg5 : memref<3x128xi32, #tpu.memory_space<vmem>>) target_semaphore(%run_scoped3A : memref<!tpu.dma_semaphore, #tpu.memory_space<semaphore_mem>>)
      %dma_wait3A_28 = arith.constant 0 : i32
      %dma_wait3A_29 = tpu.memref_slice %arg2[%dma_wait3A_28, %mul3A_2] : memref<3x4096xi32, #tpu.memory_space<hbm>> -> memref<3x128xi32, #tpu.memory_space<hbm>>
      %dma_wait3A_30 = arith.constant 0 : i32
      %dma_wait3A_31 = tpu.memref_slice %arg2[%dma_wait3A_30, %mul3A_2] : memref<3x4096xi32, #tpu.memory_space<hbm>> -> memref<3x128xi32, #tpu.memory_space<hbm>>
      tpu.wait_dma2 semaphore(%run_scoped3A : memref<!tpu.dma_semaphore, #tpu.memory_space<semaphore_mem>>) src(%dma_wait3A_31 : memref<3x128xi32, #tpu.memory_space<hbm>>) dst(%arg5 : memref<3x128xi32, #tpu.memory_space<vmem>>)
      tpu.yield
    }) : () -> ()
    %iota3A = tpu.iota {dimensions = array<i32: 0>} : vector<16xi32>
    %scan3A = arith.constant 0 : i32
    %scan3A_3 = arith.constant 0 : i32
    %scan3A_4 = arith.constant 8 : i32
    %scan3A_5 = arith.addi %scan3A_3, %scan3A_4 : i32
    %scan3A_6 = arith.constant 1 : i32
    scf.for %scan3A_24 = %scan3A_3 to %scan3A_5 step %scan3A_6  : i32 {
      %mul3A_25 = arith.constant 16 : i32
      %mul3A_26 = arith.muli %scan3A_24, %mul3A_25 : i32
      %multiple_of3A = tpu.assume_multiple %mul3A_26, 16 : i32
      %get3A = arith.constant 0 : i32
      %get3A_27 = arith.index_cast %get3A : i32 to index
      %get3A_28 = arith.index_cast %multiple_of3A : i32 to index
      %get3A_29 = tpu.vector_load %arg5[%get3A_27, %get3A_28] {strides = array<i32>} : memref<3x128xi32, #tpu.memory_space<vmem>>, vector<1x16xi32>,
      %get3A_30 = vector.shape_cast %get3A_29 : vector<1x16xi32> to vector<16xi32>
      %get3A_31 = arith.constant 1 : i32
      %get3A_32 = arith.index_cast %get3A_31 : i32 to index
      %get3A_33 = arith.index_cast %multiple_of3A : i32 to index
      %get3A_34 = tpu.vector_load %arg5[%get3A_32, %get3A_33] {strides = array<i32>} : memref<3x128xi32, #tpu.memory_space<vmem>>, vector<1x16xi32>,
      %get3A_35 = vector.shape_cast %get3A_34 : vector<1x16xi32> to vector<16xi32>
      %mul3A_36 = arith.constant 256 : i32
      %mul3A_37 = vector.broadcast %mul3A_36 : i32 to vector<16xi32>
      %mul3A_38 = arith.muli %get3A_30, %mul3A_37 : vector<16xi32>
      %add3A_39 = arith.addi %mul3A_38, %get3A_35 : vector<16xi32>
      %swap3A_40 = arith.index_cast %multiple_of3A : i32 to index
      %swap3A_41 = tpu.vector_load %arg6[%swap3A_40] {strides = array<i32>} : memref<128xi32, #tpu.memory_space<vmem>>, vector<16xi32>,
      %swap3A_42 = vector.shape_cast %swap3A_41 : vector<16xi32> to vector<16xi32>
      %swap3A_43 = vector.shape_cast %add3A_39 : vector<16xi32> to vector<16xi32>
      tpu.vector_store %arg6[%swap3A_40], %swap3A_43 {strides = array<i32>} : memref<128xi32, #tpu.memory_space<vmem>>, vector<16xi32>,
    }
    %scan3A_7 = arith.constant 8 : i32
    %dma_start3A = arith.constant 0 : i32
    %dma_start3A_8 = arith.constant 0 : i32
    %dma_start3A_9 = tpu.memref_slice %arg3[%dma_start3A, %dma_start3A_8] : memref<65536x256xf32, #tpu.memory_space<hbm>> -> memref<65536x256xf32, #tpu.memory_space<hbm>>
    tpu.enqueue_indirect_dma source(%dma_start3A_9 : memref<65536x256xf32, #tpu.memory_space<hbm>>) target(%arg7 : memref<128x256xf32, #tpu.memory_space<vmem>>) offsets(%arg6 : memref<128xi32, #tpu.memory_space<vmem>>) semaphore(%arg9 : memref<!tpu.dma_semaphore, #tpu.memory_space<semaphore_mem>>)
    %dma_wait3A = arith.constant 0 : i32
    %dma_wait3A_10 = arith.constant 0 : i32
    %dma_wait3A_11 = tpu.memref_slice %arg3[%dma_wait3A, %dma_wait3A_10] : memref<65536x256xf32, #tpu.memory_space<hbm>> -> memref<65536x256xf32, #tpu.memory_space<hbm>>
    tpu.wait_indirect_dma semaphore(%arg9 : memref<!tpu.dma_semaphore, #tpu.memory_space<semaphore_mem>>) src(%dma_wait3A_11 : memref<65536x256xf32, #tpu.memory_space<hbm>>) dst(%arg7 : memref<128x256xf32, #tpu.memory_space<vmem>>)
    %broadcast_in_dim3A = arith.constant 0.000000e+00 : f32
    %broadcast_in_dim3A_12 = vector.broadcast %broadcast_in_dim3A : f32 to vector<16xf32>
    %scan3A_13 = arith.constant 0 : i32
    %scan3A_14 = arith.constant 8 : i32
    %scan3A_15 = arith.addi %scan3A_13, %scan3A_14 : i32
    %scan3A_16 = arith.constant 1 : i32
    %scan3A_17 = scf.for %scan3A_24 = %scan3A_13 to %scan3A_15 step %scan3A_16 iter_args(%scan3A_25 = %broadcast_in_dim3A_12) -> (vector<16xf32>)  : i32 {
      %mul3A_26 = arith.constant 16 : i32
      %mul3A_27 = arith.muli %scan3A_24, %mul3A_26 : i32
      %multiple_of3A = tpu.assume_multiple %mul3A_27, 16 : i32
      %get3A = arith.constant 2 : i32
      %get3A_28 = arith.index_cast %get3A : i32 to index
      %get3A_29 = arith.index_cast %multiple_of3A : i32 to index
      %get3A_30 = tpu.vector_load %arg5[%get3A_28, %get3A_29] {strides = array<i32>} : memref<3x128xi32, #tpu.memory_space<vmem>>, vector<1x16xi32>,
      %get3A_31 = vector.shape_cast %get3A_30 : vector<1x16xi32> to vector<16xi32>
      %shift_right_logical3A = arith.constant 4 : i32
      %shift_right_logical3A_32 = vector.broadcast %shift_right_logical3A : i32 to vector<16xi32>
      %shift_right_logical3A_33 = arith.shrui %get3A_31, %shift_right_logical3A_32 : vector<16xi32>
      %mul3A_34 = arith.constant 16 : i32
      %mul3A_35 = vector.broadcast %mul3A_34 : i32 to vector<16xi32>
      %mul3A_36 = arith.muli %shift_right_logical3A_33, %mul3A_35 : vector<16xi32>
      %and3A = arith.constant 15 : i32
      %and3A_37 = vector.broadcast %and3A : i32 to vector<16xi32>
      %and3A_38 = arith.andi %get3A_31, %and3A_37 : vector<16xi32>
      %mul3A_39 = arith.constant 16 : i32
      %mul3A_40 = arith.muli %scan3A_24, %mul3A_39 : i32
      %add3A_41 = arith.constant 0 : i32
      %add3A_42 = arith.addi %mul3A_40, %add3A_41 : i32
      %slice3A = vector.extract_strided_slice %mul3A_36 {offsets = [0], sizes = [1], strides = [1]} : vector<16xi32> to vector<1xi32>
      %squeeze3A = vector.extract %slice3A[0] : i32 from vector<1xi32>
      %multiple_of3A_43 = tpu.assume_multiple %squeeze3A, 16 : i32
      %get3A_44 = arith.index_cast %add3A_42 : i32 to index
      %get3A_45 = arith.index_cast %multiple_of3A_43 : i32 to index
      %get3A_46 = tpu.vector_load %arg7[%get3A_44, %get3A_45] {strides = array<i32>} : memref<128x256xf32, #tpu.memory_space<vmem>>, vector<1x16xf32>,
      %get3A_47 = vector.shape_cast %get3A_46 : vector<1x16xf32> to vector<16xf32>
      %slice3A_48 = vector.extract_strided_slice %and3A_38 {offsets = [0], sizes = [1], strides = [1]} : vector<16xi32> to vector<1xi32>
      %squeeze3A_49 = vector.extract %slice3A_48[0] : i32 from vector<1xi32>
      %eq3A = vector.broadcast %squeeze3A_49 : i32 to vector<16xi32>
      %eq3A_50 = arith.cmpi eq, %iota3A, %eq3A : vector<16xi32>
      %jit3A = arith.constant 0.000000e+00 : f32
      %broadcast_in_dim3A_51 = vector.broadcast %jit3A : f32 to vector<16xf32>
      %select_n3A = arith.select %eq3A_50, %get3A_47, %broadcast_in_dim3A_51 : vector<16xi1>, vector<16xf32>
      %add3A_52 = arith.addf %scan3A_25, %select_n3A : vector<16xf32>
      %mul3A_53 = arith.constant 16 : i32
      %mul3A_54 = arith.muli %scan3A_24, %mul3A_53 : i32
      %add3A_55 = arith.constant 1 : i32
      %add3A_56 = arith.addi %mul3A_54, %add3A_55 : i32
      %slice3A_57 = vector.extract_strided_slice %mul3A_36 {offsets = [1], sizes = [1], strides = [1]} : vector<16xi32> to vector<1xi32>
      %squeeze3A_58 = vector.extract %slice3A_57[0] : i32 from vector<1xi32>
      %multiple_of3A_59 = tpu.assume_multiple %squeeze3A_58, 16 : i32
      %get3A_60 = arith.index_cast %add3A_56 : i32 to index
      %get3A_61 = arith.index_cast %multiple_of3A_59 : i32 to index
      %get3A_62 = tpu.vector_load %arg7[%get3A_60, %get3A_61] {strides = array<i32>} : memref<128x256xf32, #tpu.memory_space<vmem>>, vector<1x16xf32>,
      %get3A_63 = vector.shape_cast %get3A_62 : vector<1x16xf32> to vector<16xf32>
      %slice3A_64 = vector.extract_strided_slice %and3A_38 {offsets = [1], sizes = [1], strides = [1]} : vector<16xi32> to vector<1xi32>
      %squeeze3A_65 = vector.extract %slice3A_64[0] : i32 from vector<1xi32>
      %eq3A_66 = vector.broadcast %squeeze3A_65 : i32 to vector<16xi32>
      %eq3A_67 = arith.cmpi eq, %iota3A, %eq3A_66 : vector<16xi32>
      %jit3A_68 = arith.constant 0.000000e+00 : f32
      %broadcast_in_dim3A_69 = vector.broadcast %jit3A_68 : f32 to vector<16xf32>
      %select_n3A_70 = arith.select %eq3A_67, %get3A_63, %broadcast_in_dim3A_69 : vector<16xi1>, vector<16xf32>
      %add3A_71 = arith.addf %add3A_52, %select_n3A_70 : vector<16xf32>
      %mul3A_72 = arith.constant 16 : i32
      %mul3A_73 = arith.muli %scan3A_24, %mul3A_72 : i32
      %add3A_74 = arith.constant 2 : i32
      %add3A_75 = arith.addi %mul3A_73, %add3A_74 : i32
      %slice3A_76 = vector.extract_strided_slice %mul3A_36 {offsets = [2], sizes = [1], strides = [1]} : vector<16xi32> to vector<1xi32>
      %squeeze3A_77 = vector.extract %slice3A_76[0] : i32 from vector<1xi32>
      %multiple_of3A_78 = tpu.assume_multiple %squeeze3A_77, 16 : i32
      %get3A_79 = arith.index_cast %add3A_75 : i32 to index
      %get3A_80 = arith.index_cast %multiple_of3A_78 : i32 to index
      %get3A_81 = tpu.vector_load %arg7[%get3A_79, %get3A_80] {strides = array<i32>} : memref<128x256xf32, #tpu.memory_space<vmem>>, vector<1x16xf32>,
      %get3A_82 = vector.shape_cast %get3A_81 : vector<1x16xf32> to vector<16xf32>
      %slice3A_83 = vector.extract_strided_slice %and3A_38 {offsets = [2], sizes = [1], strides = [1]} : vector<16xi32> to vector<1xi32>
      %squeeze3A_84 = vector.extract %slice3A_83[0] : i32 from vector<1xi32>
      %eq3A_85 = vector.broadcast %squeeze3A_84 : i32 to vector<16xi32>
      %eq3A_86 = arith.cmpi eq, %iota3A, %eq3A_85 : vector<16xi32>
      %jit3A_87 = arith.constant 0.000000e+00 : f32
      %broadcast_in_dim3A_88 = vector.broadcast %jit3A_87 : f32 to vector<16xf32>
      %select_n3A_89 = arith.select %eq3A_86, %get3A_82, %broadcast_in_dim3A_88 : vector<16xi1>, vector<16xf32>
      %add3A_90 = arith.addf %add3A_71, %select_n3A_89 : vector<16xf32>
      %mul3A_91 = arith.constant 16 : i32
      %mul3A_92 = arith.muli %scan3A_24, %mul3A_91 : i32
      %add3A_93 = arith.constant 3 : i32
      %add3A_94 = arith.addi %mul3A_92, %add3A_93 : i32
      %slice3A_95 = vector.extract_strided_slice %mul3A_36 {offsets = [3], sizes = [1], strides = [1]} : vector<16xi32> to vector<1xi32>
      %squeeze3A_96 = vector.extract %slice3A_95[0] : i32 from vector<1xi32>
      %multiple_of3A_97 = tpu.assume_multiple %squeeze3A_96, 16 : i32
      %get3A_98 = arith.index_cast %add3A_94 : i32 to index
      %get3A_99 = arith.index_cast %multiple_of3A_97 : i32 to index
      %get3A_100 = tpu.vector_load %arg7[%get3A_98, %get3A_99] {strides = array<i32>} : memref<128x256xf32, #tpu.memory_space<vmem>>, vector<1x16xf32>,
      %get3A_101 = vector.shape_cast %get3A_100 : vector<1x16xf32> to vector<16xf32>
      %slice3A_102 = vector.extract_strided_slice %and3A_38 {offsets = [3], sizes = [1], strides = [1]} : vector<16xi32> to vector<1xi32>
      %squeeze3A_103 = vector.extract %slice3A_102[0] : i32 from vector<1xi32>
      %eq3A_104 = vector.broadcast %squeeze3A_103 : i32 to vector<16xi32>
      %eq3A_105 = arith.cmpi eq, %iota3A, %eq3A_104 : vector<16xi32>
      %jit3A_106 = arith.constant 0.000000e+00 : f32
      %broadcast_in_dim3A_107 = vector.broadcast %jit3A_106 : f32 to vector<16xf32>
      %select_n3A_108 = arith.select %eq3A_105, %get3A_101, %broadcast_in_dim3A_107 : vector<16xi1>, vector<16xf32>
      %add3A_109 = arith.addf %add3A_90, %select_n3A_108 : vector<16xf32>
      %mul3A_110 = arith.constant 16 : i32
      %mul3A_111 = arith.muli %scan3A_24, %mul3A_110 : i32
      %add3A_112 = arith.constant 4 : i32
      %add3A_113 = arith.addi %mul3A_111, %add3A_112 : i32
      %slice3A_114 = vector.extract_strided_slice %mul3A_36 {offsets = [4], sizes = [1], strides = [1]} : vector<16xi32> to vector<1xi32>
      %squeeze3A_115 = vector.extract %slice3A_114[0] : i32 from vector<1xi32>
      %multiple_of3A_116 = tpu.assume_multiple %squeeze3A_115, 16 : i32
      %get3A_117 = arith.index_cast %add3A_113 : i32 to index
      %get3A_118 = arith.index_cast %multiple_of3A_116 : i32 to index
      %get3A_119 = tpu.vector_load %arg7[%get3A_117, %get3A_118] {strides = array<i32>} : memref<128x256xf32, #tpu.memory_space<vmem>>, vector<1x16xf32>,
      %get3A_120 = vector.shape_cast %get3A_119 : vector<1x16xf32> to vector<16xf32>
      %slice3A_121 = vector.extract_strided_slice %and3A_38 {offsets = [4], sizes = [1], strides = [1]} : vector<16xi32> to vector<1xi32>
      %squeeze3A_122 = vector.extract %slice3A_121[0] : i32 from vector<1xi32>
      %eq3A_123 = vector.broadcast %squeeze3A_122 : i32 to vector<16xi32>
      %eq3A_124 = arith.cmpi eq, %iota3A, %eq3A_123 : vector<16xi32>
      %jit3A_125 = arith.constant 0.000000e+00 : f32
      %broadcast_in_dim3A_126 = vector.broadcast %jit3A_125 : f32 to vector<16xf32>
      %select_n3A_127 = arith.select %eq3A_124, %get3A_120, %broadcast_in_dim3A_126 : vector<16xi1>, vector<16xf32>
      %add3A_128 = arith.addf %add3A_109, %select_n3A_127 : vector<16xf32>
      %mul3A_129 = arith.constant 16 : i32
      %mul3A_130 = arith.muli %scan3A_24, %mul3A_129 : i32
      %add3A_131 = arith.constant 5 : i32
      %add3A_132 = arith.addi %mul3A_130, %add3A_131 : i32
      %slice3A_133 = vector.extract_strided_slice %mul3A_36 {offsets = [5], sizes = [1], strides = [1]} : vector<16xi32> to vector<1xi32>
      %squeeze3A_134 = vector.extract %slice3A_133[0] : i32 from vector<1xi32>
      %multiple_of3A_135 = tpu.assume_multiple %squeeze3A_134, 16 : i32
      %get3A_136 = arith.index_cast %add3A_132 : i32 to index
      %get3A_137 = arith.index_cast %multiple_of3A_135 : i32 to index
      %get3A_138 = tpu.vector_load %arg7[%get3A_136, %get3A_137] {strides = array<i32>} : memref<128x256xf32, #tpu.memory_space<vmem>>, vector<1x16xf32>,
      %get3A_139 = vector.shape_cast %get3A_138 : vector<1x16xf32> to vector<16xf32>
      %slice3A_140 = vector.extract_strided_slice %and3A_38 {offsets = [5], sizes = [1], strides = [1]} : vector<16xi32> to vector<1xi32>
      %squeeze3A_141 = vector.extract %slice3A_140[0] : i32 from vector<1xi32>
      %eq3A_142 = vector.broadcast %squeeze3A_141 : i32 to vector<16xi32>
      %eq3A_143 = arith.cmpi eq, %iota3A, %eq3A_142 : vector<16xi32>
      %jit3A_144 = arith.constant 0.000000e+00 : f32
      %broadcast_in_dim3A_145 = vector.broadcast %jit3A_144 : f32 to vector<16xf32>
      %select_n3A_146 = arith.select %eq3A_143, %get3A_139, %broadcast_in_dim3A_145 : vector<16xi1>, vector<16xf32>
      %add3A_147 = arith.addf %add3A_128, %select_n3A_146 : vector<16xf32>
      %mul3A_148 = arith.constant 16 : i32
      %mul3A_149 = arith.muli %scan3A_24, %mul3A_148 : i32
      %add3A_150 = arith.constant 6 : i32
      %add3A_151 = arith.addi %mul3A_149, %add3A_150 : i32
      %slice3A_152 = vector.extract_strided_slice %mul3A_36 {offsets = [6], sizes = [1], strides = [1]} : vector<16xi32> to vector<1xi32>
      %squeeze3A_153 = vector.extract %slice3A_152[0] : i32 from vector<1xi32>
      %multiple_of3A_154 = tpu.assume_multiple %squeeze3A_153, 16 : i32
      %get3A_155 = arith.index_cast %add3A_151 : i32 to index
      %get3A_156 = arith.index_cast %multiple_of3A_154 : i32 to index
      %get3A_157 = tpu.vector_load %arg7[%get3A_155, %get3A_156] {strides = array<i32>} : memref<128x256xf32, #tpu.memory_space<vmem>>, vector<1x16xf32>,
      %get3A_158 = vector.shape_cast %get3A_157 : vector<1x16xf32> to vector<16xf32>
      %slice3A_159 = vector.extract_strided_slice %and3A_38 {offsets = [6], sizes = [1], strides = [1]} : vector<16xi32> to vector<1xi32>
      %squeeze3A_160 = vector.extract %slice3A_159[0] : i32 from vector<1xi32>
      %eq3A_161 = vector.broadcast %squeeze3A_160 : i32 to vector<16xi32>
      %eq3A_162 = arith.cmpi eq, %iota3A, %eq3A_161 : vector<16xi32>
      %jit3A_163 = arith.constant 0.000000e+00 : f32
      %broadcast_in_dim3A_164 = vector.broadcast %jit3A_163 : f32 to vector<16xf32>
      %select_n3A_165 = arith.select %eq3A_162, %get3A_158, %broadcast_in_dim3A_164 : vector<16xi1>, vector<16xf32>
      %add3A_166 = arith.addf %add3A_147, %select_n3A_165 : vector<16xf32>
      %mul3A_167 = arith.constant 16 : i32
      %mul3A_168 = arith.muli %scan3A_24, %mul3A_167 : i32
      %add3A_169 = arith.constant 7 : i32
      %add3A_170 = arith.addi %mul3A_168, %add3A_169 : i32
      %slice3A_171 = vector.extract_strided_slice %mul3A_36 {offsets = [7], sizes = [1], strides = [1]} : vector<16xi32> to vector<1xi32>
      %squeeze3A_172 = vector.extract %slice3A_171[0] : i32 from vector<1xi32>
      %multiple_of3A_173 = tpu.assume_multiple %squeeze3A_172, 16 : i32
      %get3A_174 = arith.index_cast %add3A_170 : i32 to index
      %get3A_175 = arith.index_cast %multiple_of3A_173 : i32 to index
      %get3A_176 = tpu.vector_load %arg7[%get3A_174, %get3A_175] {strides = array<i32>} : memref<128x256xf32, #tpu.memory_space<vmem>>, vector<1x16xf32>,
      %get3A_177 = vector.shape_cast %get3A_176 : vector<1x16xf32> to vector<16xf32>
      %slice3A_178 = vector.extract_strided_slice %and3A_38 {offsets = [7], sizes = [1], strides = [1]} : vector<16xi32> to vector<1xi32>
      %squeeze3A_179 = vector.extract %slice3A_178[0] : i32 from vector<1xi32>
      %eq3A_180 = vector.broadcast %squeeze3A_179 : i32 to vector<16xi32>
      %eq3A_181 = arith.cmpi eq, %iota3A, %eq3A_180 : vector<16xi32>
      %jit3A_182 = arith.constant 0.000000e+00 : f32
      %broadcast_in_dim3A_183 = vector.broadcast %jit3A_182 : f32 to vector<16xf32>
      %select_n3A_184 = arith.select %eq3A_181, %get3A_177, %broadcast_in_dim3A_183 : vector<16xi1>, vector<16xf32>
      %add3A_185 = arith.addf %add3A_166, %select_n3A_184 : vector<16xf32>
      %mul3A_186 = arith.constant 16 : i32
      %mul3A_187 = arith.muli %scan3A_24, %mul3A_186 : i32
      %add3A_188 = arith.constant 8 : i32
      %add3A_189 = arith.addi %mul3A_187, %add3A_188 : i32
      %slice3A_190 = vector.extract_strided_slice %mul3A_36 {offsets = [8], sizes = [1], strides = [1]} : vector<16xi32> to vector<1xi32>
      %squeeze3A_191 = vector.extract %slice3A_190[0] : i32 from vector<1xi32>
      %multiple_of3A_192 = tpu.assume_multiple %squeeze3A_191, 16 : i32
      %get3A_193 = arith.index_cast %add3A_189 : i32 to index
      %get3A_194 = arith.index_cast %multiple_of3A_192 : i32 to index
      %get3A_195 = tpu.vector_load %arg7[%get3A_193, %get3A_194] {strides = array<i32>} : memref<128x256xf32, #tpu.memory_space<vmem>>, vector<1x16xf32>,
      %get3A_196 = vector.shape_cast %get3A_195 : vector<1x16xf32> to vector<16xf32>
      %slice3A_197 = vector.extract_strided_slice %and3A_38 {offsets = [8], sizes = [1], strides = [1]} : vector<16xi32> to vector<1xi32>
      %squeeze3A_198 = vector.extract %slice3A_197[0] : i32 from vector<1xi32>
      %eq3A_199 = vector.broadcast %squeeze3A_198 : i32 to vector<16xi32>
      %eq3A_200 = arith.cmpi eq, %iota3A, %eq3A_199 : vector<16xi32>
      %jit3A_201 = arith.constant 0.000000e+00 : f32
      %broadcast_in_dim3A_202 = vector.broadcast %jit3A_201 : f32 to vector<16xf32>
      %select_n3A_203 = arith.select %eq3A_200, %get3A_196, %broadcast_in_dim3A_202 : vector<16xi1>, vector<16xf32>
      %add3A_204 = arith.addf %add3A_185, %select_n3A_203 : vector<16xf32>
      %mul3A_205 = arith.constant 16 : i32
      %mul3A_206 = arith.muli %scan3A_24, %mul3A_205 : i32
      %add3A_207 = arith.constant 9 : i32
      %add3A_208 = arith.addi %mul3A_206, %add3A_207 : i32
      %slice3A_209 = vector.extract_strided_slice %mul3A_36 {offsets = [9], sizes = [1], strides = [1]} : vector<16xi32> to vector<1xi32>
      %squeeze3A_210 = vector.extract %slice3A_209[0] : i32 from vector<1xi32>
      %multiple_of3A_211 = tpu.assume_multiple %squeeze3A_210, 16 : i32
      %get3A_212 = arith.index_cast %add3A_208 : i32 to index
      %get3A_213 = arith.index_cast %multiple_of3A_211 : i32 to index
      %get3A_214 = tpu.vector_load %arg7[%get3A_212, %get3A_213] {strides = array<i32>} : memref<128x256xf32, #tpu.memory_space<vmem>>, vector<1x16xf32>,
      %get3A_215 = vector.shape_cast %get3A_214 : vector<1x16xf32> to vector<16xf32>
      %slice3A_216 = vector.extract_strided_slice %and3A_38 {offsets = [9], sizes = [1], strides = [1]} : vector<16xi32> to vector<1xi32>
      %squeeze3A_217 = vector.extract %slice3A_216[0] : i32 from vector<1xi32>
      %eq3A_218 = vector.broadcast %squeeze3A_217 : i32 to vector<16xi32>
      %eq3A_219 = arith.cmpi eq, %iota3A, %eq3A_218 : vector<16xi32>
      %jit3A_220 = arith.constant 0.000000e+00 : f32
      %broadcast_in_dim3A_221 = vector.broadcast %jit3A_220 : f32 to vector<16xf32>
      %select_n3A_222 = arith.select %eq3A_219, %get3A_215, %broadcast_in_dim3A_221 : vector<16xi1>, vector<16xf32>
      %add3A_223 = arith.addf %add3A_204, %select_n3A_222 : vector<16xf32>
      %mul3A_224 = arith.constant 16 : i32
      %mul3A_225 = arith.muli %scan3A_24, %mul3A_224 : i32
      %add3A_226 = arith.constant 10 : i32
      %add3A_227 = arith.addi %mul3A_225, %add3A_226 : i32
      %slice3A_228 = vector.extract_strided_slice %mul3A_36 {offsets = [10], sizes = [1], strides = [1]} : vector<16xi32> to vector<1xi32>
      %squeeze3A_229 = vector.extract %slice3A_228[0] : i32 from vector<1xi32>
      %multiple_of3A_230 = tpu.assume_multiple %squeeze3A_229, 16 : i32
      %get3A_231 = arith.index_cast %add3A_227 : i32 to index
      %get3A_232 = arith.index_cast %multiple_of3A_230 : i32 to index
      %get3A_233 = tpu.vector_load %arg7[%get3A_231, %get3A_232] {strides = array<i32>} : memref<128x256xf32, #tpu.memory_space<vmem>>, vector<1x16xf32>,
      %get3A_234 = vector.shape_cast %get3A_233 : vector<1x16xf32> to vector<16xf32>
      %slice3A_235 = vector.extract_strided_slice %and3A_38 {offsets = [10], sizes = [1], strides = [1]} : vector<16xi32> to vector<1xi32>
      %squeeze3A_236 = vector.extract %slice3A_235[0] : i32 from vector<1xi32>
      %eq3A_237 = vector.broadcast %squeeze3A_236 : i32 to vector<16xi32>
      %eq3A_238 = arith.cmpi eq, %iota3A, %eq3A_237 : vector<16xi32>
      %jit3A_239 = arith.constant 0.000000e+00 : f32
      %broadcast_in_dim3A_240 = vector.broadcast %jit3A_239 : f32 to vector<16xf32>
      %select_n3A_241 = arith.select %eq3A_238, %get3A_234, %broadcast_in_dim3A_240 : vector<16xi1>, vector<16xf32>
      %add3A_242 = arith.addf %add3A_223, %select_n3A_241 : vector<16xf32>
      %mul3A_243 = arith.constant 16 : i32
      %mul3A_244 = arith.muli %scan3A_24, %mul3A_243 : i32
      %add3A_245 = arith.constant 11 : i32
      %add3A_246 = arith.addi %mul3A_244, %add3A_245 : i32
      %slice3A_247 = vector.extract_strided_slice %mul3A_36 {offsets = [11], sizes = [1], strides = [1]} : vector<16xi32> to vector<1xi32>
      %squeeze3A_248 = vector.extract %slice3A_247[0] : i32 from vector<1xi32>
      %multiple_of3A_249 = tpu.assume_multiple %squeeze3A_248, 16 : i32
      %get3A_250 = arith.index_cast %add3A_246 : i32 to index
      %get3A_251 = arith.index_cast %multiple_of3A_249 : i32 to index
      %get3A_252 = tpu.vector_load %arg7[%get3A_250, %get3A_251] {strides = array<i32>} : memref<128x256xf32, #tpu.memory_space<vmem>>, vector<1x16xf32>,
      %get3A_253 = vector.shape_cast %get3A_252 : vector<1x16xf32> to vector<16xf32>
      %slice3A_254 = vector.extract_strided_slice %and3A_38 {offsets = [11], sizes = [1], strides = [1]} : vector<16xi32> to vector<1xi32>
      %squeeze3A_255 = vector.extract %slice3A_254[0] : i32 from vector<1xi32>
      %eq3A_256 = vector.broadcast %squeeze3A_255 : i32 to vector<16xi32>
      %eq3A_257 = arith.cmpi eq, %iota3A, %eq3A_256 : vector<16xi32>
      %jit3A_258 = arith.constant 0.000000e+00 : f32
      %broadcast_in_dim3A_259 = vector.broadcast %jit3A_258 : f32 to vector<16xf32>
      %select_n3A_260 = arith.select %eq3A_257, %get3A_253, %broadcast_in_dim3A_259 : vector<16xi1>, vector<16xf32>
      %add3A_261 = arith.addf %add3A_242, %select_n3A_260 : vector<16xf32>
      %mul3A_262 = arith.constant 16 : i32
      %mul3A_263 = arith.muli %scan3A_24, %mul3A_262 : i32
      %add3A_264 = arith.constant 12 : i32
      %add3A_265 = arith.addi %mul3A_263, %add3A_264 : i32
      %slice3A_266 = vector.extract_strided_slice %mul3A_36 {offsets = [12], sizes = [1], strides = [1]} : vector<16xi32> to vector<1xi32>
      %squeeze3A_267 = vector.extract %slice3A_266[0] : i32 from vector<1xi32>
      %multiple_of3A_268 = tpu.assume_multiple %squeeze3A_267, 16 : i32
      %get3A_269 = arith.index_cast %add3A_265 : i32 to index
      %get3A_270 = arith.index_cast %multiple_of3A_268 : i32 to index
      %get3A_271 = tpu.vector_load %arg7[%get3A_269, %get3A_270] {strides = array<i32>} : memref<128x256xf32, #tpu.memory_space<vmem>>, vector<1x16xf32>,
      %get3A_272 = vector.shape_cast %get3A_271 : vector<1x16xf32> to vector<16xf32>
      %slice3A_273 = vector.extract_strided_slice %and3A_38 {offsets = [12], sizes = [1], strides = [1]} : vector<16xi32> to vector<1xi32>
      %squeeze3A_274 = vector.extract %slice3A_273[0] : i32 from vector<1xi32>
      %eq3A_275 = vector.broadcast %squeeze3A_274 : i32 to vector<16xi32>
      %eq3A_276 = arith.cmpi eq, %iota3A, %eq3A_275 : vector<16xi32>
      %jit3A_277 = arith.constant 0.000000e+00 : f32
      %broadcast_in_dim3A_278 = vector.broadcast %jit3A_277 : f32 to vector<16xf32>
      %select_n3A_279 = arith.select %eq3A_276, %get3A_272, %broadcast_in_dim3A_278 : vector<16xi1>, vector<16xf32>
      %add3A_280 = arith.addf %add3A_261, %select_n3A_279 : vector<16xf32>
      %mul3A_281 = arith.constant 16 : i32
      %mul3A_282 = arith.muli %scan3A_24, %mul3A_281 : i32
      %add3A_283 = arith.constant 13 : i32
      %add3A_284 = arith.addi %mul3A_282, %add3A_283 : i32
      %slice3A_285 = vector.extract_strided_slice %mul3A_36 {offsets = [13], sizes = [1], strides = [1]} : vector<16xi32> to vector<1xi32>
      %squeeze3A_286 = vector.extract %slice3A_285[0] : i32 from vector<1xi32>
      %multiple_of3A_287 = tpu.assume_multiple %squeeze3A_286, 16 : i32
      %get3A_288 = arith.index_cast %add3A_284 : i32 to index
      %get3A_289 = arith.index_cast %multiple_of3A_287 : i32 to index
      %get3A_290 = tpu.vector_load %arg7[%get3A_288, %get3A_289] {strides = array<i32>} : memref<128x256xf32, #tpu.memory_space<vmem>>, vector<1x16xf32>,
      %get3A_291 = vector.shape_cast %get3A_290 : vector<1x16xf32> to vector<16xf32>
      %slice3A_292 = vector.extract_strided_slice %and3A_38 {offsets = [13], sizes = [1], strides = [1]} : vector<16xi32> to vector<1xi32>
      %squeeze3A_293 = vector.extract %slice3A_292[0] : i32 from vector<1xi32>
      %eq3A_294 = vector.broadcast %squeeze3A_293 : i32 to vector<16xi32>
      %eq3A_295 = arith.cmpi eq, %iota3A, %eq3A_294 : vector<16xi32>
      %jit3A_296 = arith.constant 0.000000e+00 : f32
      %broadcast_in_dim3A_297 = vector.broadcast %jit3A_296 : f32 to vector<16xf32>
      %select_n3A_298 = arith.select %eq3A_295, %get3A_291, %broadcast_in_dim3A_297 : vector<16xi1>, vector<16xf32>
      %add3A_299 = arith.addf %add3A_280, %select_n3A_298 : vector<16xf32>
      %mul3A_300 = arith.constant 16 : i32
      %mul3A_301 = arith.muli %scan3A_24, %mul3A_300 : i32
      %add3A_302 = arith.constant 14 : i32
      %add3A_303 = arith.addi %mul3A_301, %add3A_302 : i32
      %slice3A_304 = vector.extract_strided_slice %mul3A_36 {offsets = [14], sizes = [1], strides = [1]} : vector<16xi32> to vector<1xi32>
      %squeeze3A_305 = vector.extract %slice3A_304[0] : i32 from vector<1xi32>
      %multiple_of3A_306 = tpu.assume_multiple %squeeze3A_305, 16 : i32
      %get3A_307 = arith.index_cast %add3A_303 : i32 to index
      %get3A_308 = arith.index_cast %multiple_of3A_306 : i32 to index
      %get3A_309 = tpu.vector_load %arg7[%get3A_307, %get3A_308] {strides = array<i32>} : memref<128x256xf32, #tpu.memory_space<vmem>>, vector<1x16xf32>,
      %get3A_310 = vector.shape_cast %get3A_309 : vector<1x16xf32> to vector<16xf32>
      %slice3A_311 = vector.extract_strided_slice %and3A_38 {offsets = [14], sizes = [1], strides = [1]} : vector<16xi32> to vector<1xi32>
      %squeeze3A_312 = vector.extract %slice3A_311[0] : i32 from vector<1xi32>
      %eq3A_313 = vector.broadcast %squeeze3A_312 : i32 to vector<16xi32>
      %eq3A_314 = arith.cmpi eq, %iota3A, %eq3A_313 : vector<16xi32>
      %jit3A_315 = arith.constant 0.000000e+00 : f32
      %broadcast_in_dim3A_316 = vector.broadcast %jit3A_315 : f32 to vector<16xf32>
      %select_n3A_317 = arith.select %eq3A_314, %get3A_310, %broadcast_in_dim3A_316 : vector<16xi1>, vector<16xf32>
      %add3A_318 = arith.addf %add3A_299, %select_n3A_317 : vector<16xf32>
      %mul3A_319 = arith.constant 16 : i32
      %mul3A_320 = arith.muli %scan3A_24, %mul3A_319 : i32
      %add3A_321 = arith.constant 15 : i32
      %add3A_322 = arith.addi %mul3A_320, %add3A_321 : i32
      %slice3A_323 = vector.extract_strided_slice %mul3A_36 {offsets = [15], sizes = [1], strides = [1]} : vector<16xi32> to vector<1xi32>
      %squeeze3A_324 = vector.extract %slice3A_323[0] : i32 from vector<1xi32>
      %multiple_of3A_325 = tpu.assume_multiple %squeeze3A_324, 16 : i32
      %get3A_326 = arith.index_cast %add3A_322 : i32 to index
      %get3A_327 = arith.index_cast %multiple_of3A_325 : i32 to index
      %get3A_328 = tpu.vector_load %arg7[%get3A_326, %get3A_327] {strides = array<i32>} : memref<128x256xf32, #tpu.memory_space<vmem>>, vector<1x16xf32>,
      %get3A_329 = vector.shape_cast %get3A_328 : vector<1x16xf32> to vector<16xf32>
      %slice3A_330 = vector.extract_strided_slice %and3A_38 {offsets = [15], sizes = [1], strides = [1]} : vector<16xi32> to vector<1xi32>
      %squeeze3A_331 = vector.extract %slice3A_330[0] : i32 from vector<1xi32>
      %eq3A_332 = vector.broadcast %squeeze3A_331 : i32 to vector<16xi32>
      %eq3A_333 = arith.cmpi eq, %iota3A, %eq3A_332 : vector<16xi32>
      %jit3A_334 = arith.constant 0.000000e+00 : f32
      %broadcast_in_dim3A_335 = vector.broadcast %jit3A_334 : f32 to vector<16xf32>
      %select_n3A_336 = arith.select %eq3A_333, %get3A_329, %broadcast_in_dim3A_335 : vector<16xi1>, vector<16xf32>
      %add3A_337 = arith.addf %add3A_318, %select_n3A_336 : vector<16xf32>
      scf.yield %add3A_337 : vector<16xf32>
    }
    %scan3A_18 = arith.constant 8 : i32
    %swap3A = arith.constant 0 : i32
    %swap3A_19 = arith.index_cast %swap3A : i32 to index
    %swap3A_20 = arith.constant 0 : index
    %swap3A_21 = tpu.vector_load %arg8[%swap3A_19, %swap3A_20] {strides = array<i32>} : memref<1x16xf32, #tpu.memory_space<vmem>>, vector<1x16xf32>,
    %swap3A_22 = vector.shape_cast %swap3A_21 : vector<1x16xf32> to vector<16xf32>
    %swap3A_23 = vector.shape_cast %scan3A_17 : vector<16xf32> to vector<1x16xf32>
    tpu.vector_store %arg8[%swap3A_19, %swap3A_20], %swap3A_23 {strides = array<i32>} : memref<1x16xf32, #tpu.memory_space<vmem>>, vector<1x16xf32>,
    "tpu.region"() ({
      %run_scoped3A = tpu.sem_alloc : memref<!tpu.dma_semaphore, #tpu.memory_space<semaphore_mem>>
      %dma_start3A_24 = arith.constant 0 : i32
      %dma_start3A_25 = tpu.memref_slice %arg4[%add3A, %dma_start3A_24] : memref<32x16xf32, #tpu.memory_space<hbm>> -> memref<1x16xf32, #tpu.memory_space<hbm>>
      %dma_start3A_26 = arith.constant 0 : i32
      %dma_start3A_27 = tpu.memref_slice %arg4[%add3A, %dma_start3A_26] : memref<32x16xf32, #tpu.memory_space<hbm>> -> memref<1x16xf32, #tpu.memory_space<hbm>>
      tpu.enqueue_dma source(%arg8 : memref<1x16xf32, #tpu.memory_space<vmem>>) target(%dma_start3A_27 : memref<1x16xf32, #tpu.memory_space<hbm>>) target_semaphore(%run_scoped3A : memref<!tpu.dma_semaphore, #tpu.memory_space<semaphore_mem>>)
      %dma_wait3A_28 = arith.constant 0 : i32
      %dma_wait3A_29 = tpu.memref_slice %arg4[%add3A, %dma_wait3A_28] : memref<32x16xf32, #tpu.memory_space<hbm>> -> memref<1x16xf32, #tpu.memory_space<hbm>>
      %dma_wait3A_30 = arith.constant 0 : i32
      %dma_wait3A_31 = tpu.memref_slice %arg4[%add3A, %dma_wait3A_30] : memref<32x16xf32, #tpu.memory_space<hbm>> -> memref<1x16xf32, #tpu.memory_space<hbm>>
      tpu.wait_dma2 semaphore(%run_scoped3A : memref<!tpu.dma_semaphore, #tpu.memory_space<semaphore_mem>>) src(%arg8 : memref<1x16xf32, #tpu.memory_space<vmem>>) dst(%dma_wait3A_31 : memref<1x16xf32, #tpu.memory_space<hbm>>)
      tpu.yield
    }) : () -> ()
    return
  }
}

module attributes {stable_mosaic.version = 14 : i64} {
  func.func @_tc_body(%arg0: i32, %arg1: memref<32x256x256xf32, #tpu.memory_space<vmem>>, %arg2: memref<1x1xf32, #tpu.memory_space<smem>>) attributes {dimension_semantics = [#tpu.dimension_semantics<arbitrary>], iteration_bounds = array<i64: 8>, scalar_prefetch = 0 : i64, scratch_operands = 0 : i64, tpu.core_type = #tpu.core_type<tc>, window_params = [{transform_indices = @transform_0, window_bounds = array<i64: 32, 256, 256>}, {transform_indices = @transform_1, window_bounds = array<i64: 1, 1>}]} {
    %eq3A = arith.constant 0 : i32
    %eq3A_0 = arith.cmpi eq, %arg0, %eq3A : i32
    %convert_element_type3A = arith.extui %eq3A_0 : i1 to i32
    %cond3A = arith.constant 0 : i32
    %cond3A_1 = arith.cmpi ne, %convert_element_type3A, %cond3A : i32
    scf.if %cond3A_1 {
      %swap3A_19 = arith.constant 0.000000e+00 : f32
      %swap3A_20 = arith.constant 0 : index
      %swap3A_21 = arith.constant 0 : index
      %swap3A_22 = memref.load %arg2[%swap3A_20, %swap3A_21] : memref<1x1xf32, #tpu.memory_space<smem>>
      memref.store %swap3A_19, %arg2[%swap3A_20, %swap3A_21] : memref<1x1xf32, #tpu.memory_space<smem>>
    } else {
    }
    %get3A = arith.constant 0 : index
    %get3A_2 = arith.constant 0 : index
    %get3A_3 = memref.load %arg2[%get3A, %get3A_2] : memref<1x1xf32, #tpu.memory_space<smem>>
    %get3A_4 = arith.constant 0 : index
    %get3A_5 = arith.constant 0 : index
    %get3A_6 = arith.constant 0 : index
    %get3A_7 = vector.load %arg1[%get3A_4, %get3A_5, %get3A_6] : memref<32x256x256xf32, #tpu.memory_space<vmem>>, vector<32x256x256xf32>
    %exp3A = math.exp %get3A_7 : vector<32x256x256xf32>
    %reduce_sum3A = vector.shape_cast %exp3A : vector<32x256x256xf32> to vector<1x32x256x256xf32>
    %reduce_sum3A_8 = arith.constant dense<0.000000e+00> : vector<1xf32>
    %reduce_sum3A_9 = vector.multi_reduction <add>, %reduce_sum3A, %reduce_sum3A_8 [1, 2, 3] : vector<1x32x256x256xf32> to vector<1xf32>
    %reduce_sum3A_10 = vector.shape_cast %reduce_sum3A_9 : vector<1xf32> to vector<1x1x1x1xf32>
    %reduce_sum3A_11 = vector.extract %reduce_sum3A_10[0, 0, 0, 0] : f32 from vector<1x1x1x1xf32>
    %add3A = arith.addf %get3A_3, %reduce_sum3A_11 : f32
    %swap3A = arith.constant 0 : index
    %swap3A_12 = arith.constant 0 : index
    %swap3A_13 = memref.load %arg2[%swap3A, %swap3A_12] : memref<1x1xf32, #tpu.memory_space<smem>>
    memref.store %add3A, %arg2[%swap3A, %swap3A_12] : memref<1x1xf32, #tpu.memory_space<smem>>
    %eq3A_14 = arith.constant 7 : i32
    %eq3A_15 = arith.cmpi eq, %arg0, %eq3A_14 : i32
    %convert_element_type3A_16 = arith.extui %eq3A_15 : i1 to i32
    %cond3A_17 = arith.constant 0 : i32
    %cond3A_18 = arith.cmpi ne, %convert_element_type3A_16, %cond3A_17 : i32
    scf.if %cond3A_18 {
      %get3A_19 = arith.constant 0 : index
      %get3A_20 = arith.constant 0 : index
      %get3A_21 = memref.load %arg2[%get3A_19, %get3A_20] : memref<1x1xf32, #tpu.memory_space<smem>>
      %log3A = math.log %get3A_21 : f32
      %swap3A_22 = arith.constant 0 : index
      %swap3A_23 = arith.constant 0 : index
      %swap3A_24 = memref.load %arg2[%swap3A_22, %swap3A_23] : memref<1x1xf32, #tpu.memory_space<smem>>
      memref.store %log3A, %arg2[%swap3A_22, %swap3A_23] : memref<1x1xf32, #tpu.memory_space<smem>>
    } else {
    }
    return
  }
  func.func @transform_0(%arg0: i32) -> (i32, i32, i32) {
    %c0_i32 = arith.constant 0 : i32
    %c0_i32_0 = arith.constant 0 : i32
    %c0_i32_1 = arith.constant 0 : i32
    return %arg0, %c0_i32, %c0_i32_0 : i32, i32, i32
  }
  func.func @transform_1(%arg0: i32) -> (i32, i32) {
    %c0_i32 = arith.constant 0 : i32
    %c0_i32_0 = arith.constant 0 : i32
    %c0_i32_1 = arith.constant 0 : i32
    return %c0_i32, %c0_i32_0 : i32, i32
  }
}

</mosaic_0001>

<sc_bundles>
// kernel: kernel.4.cloned.1.call-start
scs
__scs_entry_jumppad:
0x0: {  	(pc) =	sbr.rel $0x88, $3  }
0x1: {  	(tag) =	ssettag $0x0;
	lr =	simm.s32 $0x1  }
0x2: {  	[smem:$0x3F9F] =	sst lr;
	_ =	strace $0xD0000000  }
0x3: {  	_ = 	snop  }
0x4: {  	_ = 	snop  }
0x5: {  	_ = 	snop  }
0x6: {  	_ = 	snop  }
0x7: {  	_ = 	snop  }
__scs_overlays_trampoline_lowered:
0x8: {  	[smem:$0x3FAE] =	sst s0  }
0x9: {  	[smem:$0x3FAF] =	sst s1  }
0xa: {  	[smem:$0x3FB0] =	sst s2  }
0xb: {  	[smem:$0x3FB1] =	sst s3  }
0xc: {  	[smem:$0x3FB2] =	sst s4  }
0xd: {  	[smem:$0x3FB3] =	sst s5  }
0xe: {  	[smem:$0x3FB4] =	sst s6  }
0xf: {  	[smem:$0x3FB5] =	sst s7  }
0x10: {  	[smem:$0x3FB6] =	sst s8  }
0x11: {  	[smem:$0x3FB7] =	sst s9;
	s0 =	simm.s32 @!p0 $0x0  }
0x12: {  	s1 =	sld [smem:$0x3F9D];
	s0 =	simm.s32 @p0 $0x1  }
0x13: {  	[smem:$0x3FB8] =	sst s0;
	s0 =	simm.s32 @!p1 $0x0  }
0x14: {  	s2 =	sld [smem:$0x3F9C];
	s0 =	simm.s32 @p1 $0x1  }
0x15: {  	[smem:$0x3FB9] =	sst s0;
	s0 =	simm.s32 @!p2 $0x0  }
0x16: {  	s3 =	sld [smem:$0x3FDB];
	s0 =	simm.s32 @p2 $0x1  }
0x17: {  	s4 =	simm.s32 $0x1BF5;
	[smem:$0x3FBB] =	sst s0  }
0x18: {  	s0 =	sld [smem:$0x3F9E];
	_ =	swait.ge [sflag:s4], $0x0  }
0x19: {  	s7 =	sld [smem:$0x3F9F]  }
0x1a: {  	s8 =	sadd.s32 $0xFFFFE003, lr  }
0x1b: {  	s9 =	sadd.s32 $0xFFFFFEF7, lr;
	s5 =	simm.s32 $0xFFFFFFFF;
	p2 =	slt.u32 s8, $0xFFFFF086  }
0x1c: {  	p1 =	slt.u32 s9, $0xF7A;
	s5 =	simm.s32 @!p2 $0x0  }
0x1d: {  	s5 =	simm.s32 @p1 $0x1;
	p0 =	seq.s32 s7, s2  }
0x1e: {  	s7 =	smul.u32 @!p0 $0xF7A, s2;
	p2 =	seq.s32 @!p0 s5, $0x0  }
0x1f: {  	s9 =	smul.u32 $0xF7A, s1;
	s8 =	simm.s32 @!p0 $0x1BF5;
	p2 =	por !p2, p0  }
0x20: {  	[sflag:s8] =	ssyncset.s32 @!p0 $0xFFFFF086;
	s6 =	sadd.s32 @!p0 s3, s7;
	s7 =	simm.s32 @!p0 $0x108  }
0x21: {  	s3 =	sadd.s32 s3, s9;
	s6 =	sadd.s32 @!p0 $0x88, s6;
	s7 =	simm.s32 @p2 $0x1082  }
0x22: {  	[simem:s7], [sflag:s8] =	dma.local @!p0 [hbm:s6], $0xF7A  }
0x23: {  	s9 =	sor.u32 $0xD0000000, s2;
	s6 =	simm.s32 $0x108;
	_ =	swait.ge @!p0 [sflag:s8], $0x0  }
0x24: {  	s3 =	sadd.s32 $0x88, s3;
	s6 =	simm.s32 @!p1 $0x1082;
	[sflag:s4] =	ssyncset.s32 $0xFFFFF086  }
0x25: {  	[simem:s6], [sflag:s4] =	dma.local [hbm:s3], $0xF7A  }
0x26: {  	[smem:$0x3F9F] =	sst s1;
	(tag) =	ssettag s2;
	_ =	strace s9  }
0x27: {  	s1 =	sld [smem:$0x3FAF]  }
0x28: {  	s2 =	sld [smem:$0x3FB0]  }
0x29: {  	s4 =	sld [smem:$0x3FB2]  }
0x2a: {  	p0 =	seq.s32 s5, $0x0;
	s5 =	sld [smem:$0x3FB3]  }
0x2b: {  	s6 =	sld [smem:$0x3FB4]  }
0x2c: {  	s7 =	sld [smem:$0x3FB5]  }
0x2d: {  	s3 =	simm.s32 $0x108;
	s8 =	sld [smem:$0x3FB6]  }
0x2e: {  	s3 =	simm.s32 @!p0 $0x1082;
	s9 =	sld [smem:$0x3FB7]  }
0x2f: {  	lr =	sadd.s32 s0, s3;
	s0 =	sld [smem:$0x3FAE]  }
0x30: {  	s3 =	sld [smem:$0x3FB1]  }
0x31: {  	[smem:$0x3FBA] =	sst s10  }
0x32: {  	s10 =	sld [smem:$0x3FB8];
	_ =	sdelay $0x3  }
0x33: {  	p0 =	seq.s32 s10, $0x1;
	s10 =	sld [smem:$0x3FBA];
	_ =	sdelay $0x3  }
0x34: {  	[smem:$0x3FBA] =	sst s10  }
0x35: {  	s10 =	sld [smem:$0x3FB9];
	_ =	sdelay $0x3  }
0x36: {  	p1 =	seq.s32 s10, $0x1;
	s10 =	sld [smem:$0x3FBA];
	_ =	sdelay $0x3  }
0x37: {  	[smem:$0x3FBA] =	sst s10  }
0x38: {  	s10 =	sld [smem:$0x3FBB]  }
0x39: {  	_ = 	snop;
	(pc) =	sbr.ind lr, $3  }
0x3a: {  	_ = 	snop  }
0x3b: {  	_ = 	snop  }
0x3c: {  	p2 =	seq.s32 s10, $0x1;
	s10 =	sld [smem:$0x3FBA]  }
0x3d: {  	_ =	shalt  }
0x3e: {  	_ =	shalt  }
0x3f: {  	_ =	shalt  }
0x40: {  	_ =	shalt  }
0x41: {  	_ =	shalt  }
0x42: {  	_ =	shalt  }
0x43: {  	_ =	shalt  }
0x44: {  	_ =	shalt  }
0x45: {  	_ =	shalt  }
0x46: {  	_ =	shalt  }
0x47: {  	_ =	shalt  }
0x48: {  	_ =	shalt  }
0x49: {  	_ =	shalt  }
0x4a: {  	_ =	shalt  }
0x4b: {  	_ =	shalt  }
0x4c: {  	_ =	shalt  }
0x4d: {  	_ =	shalt  }
0x4e: {  	_ =	shalt  }
0x4f: {  	_ =	shalt  }
0x50: {  	_ =	shalt  }
0x51: {  	_ =	shalt  }
0x52: {  	_ =	shalt  }
0x53: {  	_ =	shalt  }
0x54: {  	_ =	shalt  }
0x55: {  	_ =	shalt  }
0x56: {  	_ =	shalt  }
0x57: {  	_ =	shalt  }
0x58: {  	_ =	shalt  }
0x59: {  	_ =	shalt  }
0x5a: {  	_ =	shalt  }
0x5b: {  	_ =	shalt  }
0x5c: {  	_ =	shalt  }
0x5d: {  	_ =	shalt  }
0x5e: {  	_ =	shalt  }
0x5f: {  	_ =	shalt  }
0x60: {  	_ =	shalt  }
0x61: {  	_ =	shalt  }
0x62: {  	_ =	shalt  }
0x63: {  	_ =	shalt  }
0x64: {  	_ =	shalt  }
0x65: {  	_ =	shalt  }
0x66: {  	_ =	shalt  }
0x67: {  	_ =	shalt  }
0x68: {  	_ =	shalt  }
0x69: {  	_ =	shalt  }
0x6a: {  	_ =	shalt  }
0x6b: {  	_ =	shalt  }
0x6c: {  	_ =	shalt  }
0x6d: {  	_ =	shalt  }
0x6e: {  	_ =	shalt  }
0x6f: {  	_ =	shalt  }
0x70: {  	_ =	shalt  }
0x71: {  	_ =	shalt  }
0x72: {  	_ =	shalt  }
0x73: {  	_ =	shalt  }
0x74: {  	_ =	shalt  }
0x75: {  	_ =	shalt  }
0x76: {  	_ =	shalt  }
0x77: {  	_ =	shalt  }
0x78: {  	_ =	shalt  }
0x79: {  	_ =	shalt  }
0x7a: {  	_ =	shalt  }
0x7b: {  	_ =	shalt  }
0x7c: {  	_ =	shalt  }
0x7d: {  	_ =	shalt  }
0x7e: {  	_ =	shalt  }
0x7f: {  	_ =	shalt  }
0x80: {  	_ =	shalt  }
0x81: {  	_ =	shalt  }
0x82: {  	_ =	shalt  }
0x83: {  	_ =	shalt  }
0x84: {  	_ =	shalt  }
0x85: {  	_ =	shalt  }
0x86: {  	_ =	shalt  }
0x87: {  	_ =	shalt  }
.Lfunc_end0:
.L_simem_size_0:
called_computation_lowered:
.L_overlay_start_0:
0x88: {  	s2 =	sld [smem:$0x3FD9]  }
0x89: {  	s3 =	sld [smem:$0x3FFE];
	_ =	sdelay $0x1  }
0x8a: {  	s1 =	srdreg.scid  }
0x8b: {  	s0 =	sand.u32 $0x1, s1  }
0x8c: {  	s17 =	sshll.u32 s0, $0xA;
	s2 =	sadd.s32 s3, s2  }
0x8d: {  	s2 =	sadd.s32 s2, s17  }
0x8e: {  	[smem:$0x3FC6] =	sst s2  }
0x8f: {  	_ = 	snop  }
0x90: {  	s2 =	sld [smem:$0x3FC9]  }
0x91: {  	s18 =	sld [smem:$0x3FC8];
	(tm) =	ssettm $0x1  }
0x92: {  	s4 =	sld [smem:$0x3FFB];
	_ =	sdelay $0x3  }
0x93: {  	_ =	strace s4  }
0x94: {  	s4 =	sld [smem:$0x3FFC];
	_ =	sdelay $0x3  }
0x95: {  	_ =	strace s4  }
0x96: {  	s4 =	sld [smem:$0x3FFD];
	_ =	sdelay $0x3  }
0x97: {  	_ =	strace s4  }
0x98: {  	_ =	strace $0x8FFFFFFF  }
0x99: {  	s19 =	sld [smem:$0x3FDB];
	_ =	sdelay $0x1  }
0x9a: {  	s5 =	simm.s32 $_scs_section_size  }
0x9b: {  	s6 =	simm.s32 $_size__tile_overlayer_lowered;
	s7 =	simm.s32 $_tile_overlayer_lowered  }
0x9c: {  	s22 =	simm.s32 $0x1BFF;
	s21 =	sshll.u32 s7, $0x1;
	s4 =	sadd.s32 s5, s19  }
0x9d: {  	s8 =	simm.s32 $0x0;
	s20 =	sshll.u32 s6, $0x1;
	s6 =	sadd.s32 s21, s4  }
0x9e: {  	[timem:s8], [sflag:s22] =	dma.local [hbm:s6], s20  }
0x9f: {  	_ =	swait.ge [sflag:s22], s20  }
0xa0: {  	s5 =	ssub.s32 $0x0, s20;
	[sflag:s22] =	ssyncset.done $0x0  }
0xa1: {  	[sflag:s22] =	ssyncadd.s32 s5;
	_ =	sdelay $0x1  }
0xa2: {  	s23 =	simm.s32 $0x1B8B  }
0xa3: {  	_ =	swait.ge [sflag:s23], $0x1  }
0xa4: {  	[sflag:s23] =	ssyncset.done $0x0  }
0xa5: {  	s25 =	simm.s32 $0x1B8E;
	s24 =	sld [smem:$0x3FFE];
	[sflag:s23] =	ssyncadd.s32 $0xFFFFFFFF  }
0xa6: {  	s26 =	simm.s32 $execute0_lowered;
	[smem:$0x3FD2] =	sst s25  }
0xa7: {  	s6 =	sshll.u32 s26, $0x1;
	_ =	strace $0x80000046;
	[dreg:$0x1] =	wrdreg $0xFFFFFFFF  }
0xa8: {  	s28 =	simm.s32 $_size_execute0_lowered;
	s4 =	sadd.s32 s4, s6;
	[dreg:$0x0] =	wrdreg $0x0  }
0xa9: {  	s6 =	sshll.u32 s28, $0x1;
	[dreg:$0x2] =	wrdreg s4  }
0xaa: {  	[dreg:$0x3] =	wrdreg s6  }
0xab: {  	[dreg:$0x4] =	wrdreg $0xC0  }
0xac: {  	_ =	task [dreg:s8], $0x5FFFF  }
0xad: {  	[dreg:$0x1] =	wrdreg $0xFFFFFFFF  }
0xae: {  	[dreg:$0x0] =	wrdreg $0x60  }
0xaf: {  	[dreg:$0x2] =	wrdreg s2  }
0xb0: {  	[dreg:$0x3] =	wrdreg s18  }
0xb1: {  	[dreg:$0x4] =	wrdreg s24  }
0xb2: {  	[dreg:$0x5] =	wrdreg $0x9  }
0xb3: {  	_ =	task.clear_ibuf [dreg:s8], $0x6FFFF;
	_ =	strace $0x90000046  }
0xb4: {  	s29 =	simm.s32 $0x9;
	_ =	strace $0x80000048  }
0xb5: {  	_ =	swait.ge [sflag:s29], $0x1  }
0xb6: {  	[sflag:s29] =	ssyncadd.s32 $0xFFFFFFFF  }
0xb7: {  	_ =	strace $0x90000048  }
0xb8: {  	_ =	sfence  }
0xb9: {  	s30 =	sld [smem:$0x0];
	_ =	sdelay $0x2  }
0xba: {  	s31 =	sshll.u32 s1, $0xD;
	s1 =	sshrl.u32 s1, $0x2  }
0xbb: {  	s3 =	sand.u32 $0x4000, s31;
	s1 =	sadd.s32 s1, s30  }
0xbc: {  	s0 =	sor.u32 s3, s0;
	s1 =	sshll.u32 s1, $0x11  }
0xbd: {  	s0 =	sor.u32 s1, s0  }
0xbe: {  	s0 =	sadd.s32 $0x8F2B, s0  }
0xbf: {  	[sflag:s0] =	ssyncadd.remote.s32 $0x1  }
0xc0: {  	_ =	sfence.sel $0xFFFF  }
0xc1: {  	[dreg:$0x0] =	wrdreg $0xFFFFFFFF;
	(pc) =	sbr.abs _section_cstart, $3  }
0xc2: {  	[dreg:$0x1] =	wrdreg $0xFFFFFFFF  }
0xc3: {  	_ =	task.clear_ibuf [dreg:s8], $0x2FFFF;
	_ =	strace $0x9FFFFFFF  }
0xc4: {  	(tm) =	ssettm $0x7FFFFFFF  }
0xc5: {  	_ =	shalt  }
tec
execute0_lowered:
.L_overlay_start_1:
0x0: {  	(tag) =	ssettag $0x1  }
0x1: {  	s0 =	rddreg [dreg:$0x0]  }
0x2: {  	s2 =	rddreg [dreg:$0x1]  }
0x3: {  	s1 =	rddreg [dreg:$0x2];
	s4 =	srdreg.scid  }
0x4: {  	s5 =	stileid.u32;
	s3 =	simm.s32 $0x0;
	s9 =	simm.s32 $0x2  }
0x5: {  	s21 =	simm.s32 $0x5A80;
	s22 =	simm.s32 $0x6280;
	s23 =	simm.s32 $0x6A80  }
0x6: {  	s24 =	simm.s32 $0x7280;
	s25 =	simm.s32 $0x7A80;
	s26 =	simm.s32 $0x1  }
0x7: {  	s28 =	simm.s32 $0x8280;
	s29 =	simm.s32 $0x0;
	s4 =	sand.u32 $0x1, s4  }
0x8: {  	s5 =	sshll.u32 s5, $0x1;
	[smem:$0x7FF] =	sst s3;
	s6 =	ssub.s32 $0x2, s4  }
0x9: {  	v0 =	vlaneseq.u32;
	s5 =	sor.u32 s4, s5;
	_ =	strace $0x80000047;
	s30 =	sshrl.u32 s6, $0x1  }
0xa: {  	vm0 =	vmmov $0xffff;
	v2 =	vshrl.u32 v0, $0x3;
	s7 =	sshll.u32 s5, $0x6;
	s31 =	sshll.u32 s5, $0x4;
	s6 =	ssub.s32 s6, s30  }
0xb: {  	v1 =	vand.u32 $0x7, v0;
	v3 =	vor.u32 $0x8, v0;
	v2 =	vmul.u32 $0x8, v2;
	s4 =	sadd.s32 s0, s7;
	s5 =	sadd.s32 s1, s31;
	s6 =	smax.u32 s6, $0x1  }
.LBB2_1:
0xc: {  	s0 =	simm.s32 $0x200;
	s1 =	simm.s32 $0x4000  }
0xd: {  	[tilespmem:s3], [sflag:$0x2] =	stream.strided.gather [hbm4b:s4+s0], $0x0, s1, s0, $0x38;
	[tilespmem:$0x8300] =	vst v63  }
0xe: {  	_ = 	snop  }
0xf: {  	[tilespmem:s3], [sflag:$0x2] =	stream.linear.gather [hbm4b:s4+s3], $0x180, $0x38;
	[tilespmem:$0x8300] =	vst v63  }
0x10: {  	_ =	swait.ge [sflag:s9], $0x180  }
0x11: {  	[sflag:s9] =	ssyncset.done $0x0  }
0x12: {  	[sflag:s9] =	ssyncadd.s32 $0xFFFFFE80  }
0x13: {  	v4 =	vld [tilespmem:$0x0]  }
0x14: {  	v5 =	vld [tilespmem:$0x80]  }
0x15: {  	v6 =	vld [tilespmem:$0x10]  }
0x16: {  	v7 =	vld [tilespmem:$0x90]  }
0x17: {  	v8 =	vld [tilespmem:$0x20]  }
0x18: {  	v9 =	vld [tilespmem:$0xA0]  }
0x19: {  	v10 =	vld [tilespmem:$0x30]  }
0x1a: {  	v11 =	vld [tilespmem:$0xB0]  }
0x1b: {  	v12 =	vld [tilespmem:$0x40]  }
0x1c: {  	v13 =	vld [tilespmem:$0xC0]  }
0x1d: {  	v14 =	vld [tilespmem:$0x50];
	v4 =	vshll.u32 v4, $0x8  }
0x1e: {  	v15 =	vld [tilespmem:$0xD0];
	v4 =	vadd.s32 v5, v4  }
0x1f: {  	v16 =	vld [tilespmem:$0x60];
	v6 =	vshll.u32 v6, $0x8;
	v17 =	vshll.u32 v4, $0x1  }
0x20: {  	v18 =	vld [tilespmem:$0xE0];
	v8 =	vshll.u32 v8, $0x8;
	v5 =	vand.u32 $0x7, v5;
	v17 =	vand.u32 $0xFFFFFFF0, v17  }
0x21: {  	[tilespmem:$0x200] =	vst v4;
	v4 =	vadd.s32 v7, v6;
	v6 =	vadd.s32 v9, v8;
	v7 =	vld [tilespmem:$0x70];
	v5 =	vor.u32 v5, v17  }
0x22: {  	v8 =	vshll.u32 v12, $0x8;
	v9 =	vld [tilespmem:$0xF0];
	[tilespmem:$0x210] =	vst v4;
	v4 =	vshll.u32 v10, $0x8;
	v10 =	vperm.xlane v5, v1  }
0x23: {  	[tilespmem:$0x220] =	vst v6;
	v6 =	vadd.s32 v13, v8;
	v4 =	vadd.s32 v11, v4  }
0x24: {  	[tilespmem:$0x230] =	vst v4;
	v4 =	vshll.u32 v14, $0x8;
	v5 =	vperm.xlane v5, v3;
	v8 =	vadd.s32 v2, v10  }
0x25: {  	[tilespmem:$0x240] =	vst v6;
	v6 =	vshll.u32 v16, $0x8;
	v4 =	vadd.s32 v15, v4  }
0x26: {  	[tilespmem:$0x250] =	vst v4;
	v4 =	vadd.s32 v18, v6;
	v6 =	vshll.u32 v7, $0x8;
	v5 =	vadd.s32 v2, v5  }
0x27: {  	[tilespmem:$0x260] =	vst v4;
	v4 =	vadd.s32 v9, v6  }
0x28: {  	s18 =	simm.s32 $0x280;
	[tilespmem:$0x270] =	vst v4  }
0x29: {  	[tilespmem:s18], [sflag:$0x1] =	stream.indirect_vreg.gather [hbm4b:s2+s3], $0x80, v8, vm0, $0xb8;
	[tilespmem:$0x8300] =	vst v63  }
0x2a: {  	s19 =	simm.s32 $0xA80  }
0x2b: {  	[tilespmem:s19], [sflag:$0x1] =	stream.indirect_vreg.gather [hbm4b:s2+s3], $0x80, v5, vm0, $0xb8;
	[tilespmem:$0x8300] =	vst v63  }
0x2c: {  	v4 =	vld [tilespmem:$0x210];
	_ =	sdelay $0x4  }
0x2d: {  	v5 =	vshll.u32 v4, $0x1  }
0x2e: {  	v4 =	vand.u32 $0x7, v4;
	v5 =	vand.u32 $0xFFFFFFF0, v5  }
0x2f: {  	v4 =	vor.u32 v4, v5  }
0x30: {  	v5 =	vperm.xlane v4, v1;
	_ =	sdelay $0x1  }
0x31: {  	v4 =	vperm.xlane v4, v3;
	v5 =	vadd.s32 v2, v5;
	_ =	sdelay $0x1  }
0x32: {  	v4 =	vadd.s32 v2, v4;
	_ =	sdelay $0x1  }
0x33: {  	s20 =	simm.s32 $0x1280  }
0x34: {  	[tilespmem:s20], [sflag:$0x1] =	stream.indirect_vreg.gather [hbm4b:s2+s3], $0x80, v5, vm0, $0xb8;
	[tilespmem:$0x8300] =	vst v63  }
0x35: {  	s1 =	simm.s32 $0x1A80  }
0x36: {  	[tilespmem:s1], [sflag:$0x1] =	stream.indirect_vreg.gather [hbm4b:s2+s3], $0x80, v4, vm0, $0xb8;
	[tilespmem:$0x8300] =	vst v63  }
0x37: {  	v4 =	vld [tilespmem:$0x220];
	_ =	sdelay $0x4  }
0x38: {  	v5 =	vshll.u32 v4, $0x1  }
0x39: {  	v4 =	vand.u32 $0x7, v4;
	v5 =	vand.u32 $0xFFFFFFF0, v5  }
0x3a: {  	v4 =	vor.u32 v4, v5  }
0x3b: {  	v5 =	vperm.xlane v4, v1;
	_ =	sdelay $0x1  }
0x3c: {  	v4 =	vperm.xlane v4, v3;
	v5 =	vadd.s32 v2, v5;
	_ =	sdelay $0x1  }
0x3d: {  	v4 =	vadd.s32 v2, v4;
	_ =	sdelay $0x1  }
0x3e: {  	s7 =	simm.s32 $0x2280  }
0x3f: {  	[tilespmem:s7], [sflag:$0x1] =	stream.indirect_vreg.gather [hbm4b:s2+s3], $0x80, v5, vm0, $0xb8;
	[tilespmem:$0x8300] =	vst v63  }
0x40: {  	s8 =	simm.s32 $0x2A80  }
0x41: {  	[tilespmem:s8], [sflag:$0x1] =	stream.indirect_vreg.gather [hbm4b:s2+s3], $0x80, v4, vm0, $0xb8;
	[tilespmem:$0x8300] =	vst v63  }
0x42: {  	v4 =	vld [tilespmem:$0x230];
	_ =	sdelay $0x4  }
0x43: {  	v5 =	vshll.u32 v4, $0x1  }
0x44: {  	v4 =	vand.u32 $0x7, v4;
	v5 =	vand.u32 $0xFFFFFFF0, v5  }
0x45: {  	v4 =	vor.u32 v4, v5  }
0x46: {  	v5 =	vperm.xlane v4, v1;
	_ =	sdelay $0x1  }
0x47: {  	v4 =	vperm.xlane v4, v3;
	v5 =	vadd.s32 v2, v5;
	_ =	sdelay $0x1  }
0x48: {  	v4 =	vadd.s32 v2, v4;
	_ =	sdelay $0x1  }
0x49: {  	s10 =	simm.s32 $0x3280  }
0x4a: {  	[tilespmem:s10], [sflag:$0x1] =	stream.indirect_vreg.gather [hbm4b:s2+s3], $0x80, v5, vm0, $0xb8;
	[tilespmem:$0x8300] =	vst v63  }
0x4b: {  	s11 =	simm.s32 $0x3A80  }
0x4c: {  	[tilespmem:s11], [sflag:$0x1] =	stream.indirect_vreg.gather [hbm4b:s2+s3], $0x80, v4, vm0, $0xb8;
	[tilespmem:$0x8300] =	vst v63  }
0x4d: {  	v4 =	vld [tilespmem:$0x240];
	_ =	sdelay $0x4  }
0x4e: {  	v5 =	vshll.u32 v4, $0x1  }
0x4f: {  	v4 =	vand.u32 $0x7, v4;
	v5 =	vand.u32 $0xFFFFFFF0, v5  }
0x50: {  	v4 =	vor.u32 v4, v5  }
0x51: {  	v5 =	vperm.xlane v4, v1;
	_ =	sdelay $0x1  }
0x52: {  	v4 =	vperm.xlane v4, v3;
	v5 =	vadd.s32 v2, v5;
	_ =	sdelay $0x1  }
0x53: {  	v4 =	vadd.s32 v2, v4;
	_ =	sdelay $0x1  }
0x54: {  	s12 =	simm.s32 $0x4280  }
0x55: {  	[tilespmem:s12], [sflag:$0x1] =	stream.indirect_vreg.gather [hbm4b:s2+s3], $0x80, v5, vm0, $0xb8;
	[tilespmem:$0x8300] =	vst v63  }
0x56: {  	s13 =	simm.s32 $0x4A80  }
0x57: {  	[tilespmem:s13], [sflag:$0x1] =	stream.indirect_vreg.gather [hbm4b:s2+s3], $0x80, v4, vm0, $0xb8;
	[tilespmem:$0x8300] =	vst v63  }
0x58: {  	v4 =	vld [tilespmem:$0x250];
	_ =	sdelay $0x4  }
0x59: {  	v5 =	vshll.u32 v4, $0x1  }
0x5a: {  	v4 =	vand.u32 $0x7, v4;
	v5 =	vand.u32 $0xFFFFFFF0, v5  }
0x5b: {  	v4 =	vor.u32 v4, v5  }
0x5c: {  	v5 =	vperm.xlane v4, v1;
	_ =	sdelay $0x1  }
0x5d: {  	v4 =	vperm.xlane v4, v3;
	v5 =	vadd.s32 v2, v5;
	_ =	sdelay $0x1  }
0x5e: {  	v4 =	vadd.s32 v2, v4;
	_ =	sdelay $0x1  }
0x5f: {  	s14 =	simm.s32 $0x5280  }
0x60: {  	[tilespmem:s14], [sflag:$0x1] =	stream.indirect_vreg.gather [hbm4b:s2+s3], $0x80, v5, vm0, $0xb8;
	[tilespmem:$0x8300] =	vst v63  }
0x61: {  	_ = 	snop  }
0x62: {  	[tilespmem:s21], [sflag:$0x1] =	stream.indirect_vreg.gather [hbm4b:s2+s3], $0x80, v4, vm0, $0xb8;
	[tilespmem:$0x8300] =	vst v63  }
0x63: {  	v4 =	vld [tilespmem:$0x260];
	_ =	sdelay $0x4  }
0x64: {  	v5 =	vshll.u32 v4, $0x1  }
0x65: {  	v4 =	vand.u32 $0x7, v4;
	v5 =	vand.u32 $0xFFFFFFF0, v5  }
0x66: {  	v4 =	vor.u32 v4, v5  }
0x67: {  	v5 =	vperm.xlane v4, v1;
	_ =	sdelay $0x1  }
0x68: {  	v4 =	vperm.xlane v4, v3;
	v5 =	vadd.s32 v2, v5;
	_ =	sdelay $0x1  }
0x69: {  	v4 =	vadd.s32 v2, v4;
	_ =	sdelay $0x2  }
0x6a: {  	[tilespmem:s22], [sflag:$0x1] =	stream.indirect_vreg.gather [hbm4b:s2+s3], $0x80, v5, vm0, $0xb8;
	[tilespmem:$0x8300] =	vst v63  }
0x6b: {  	_ = 	snop  }
0x6c: {  	[tilespmem:s23], [sflag:$0x1] =	stream.indirect_vreg.gather [hbm4b:s2+s3], $0x80, v4, vm0, $0xb8;
	[tilespmem:$0x8300] =	vst v63  }
0x6d: {  	v4 =	vld [tilespmem:$0x270];
	_ =	sdelay $0x4  }
0x6e: {  	v5 =	vshll.u32 v4, $0x1  }
0x6f: {  	v4 =	vand.u32 $0x7, v4;
	v5 =	vand.u32 $0xFFFFFFF0, v5  }
0x70: {  	v4 =	vor.u32 v4, v5  }
0x71: {  	v5 =	vperm.xlane v4, v1;
	_ =	sdelay $0x1  }
0x72: {  	v4 =	vperm.xlane v4, v3;
	v5 =	vadd.s32 v2, v5;
	_ =	sdelay $0x1  }
0x73: {  	v4 =	vadd.s32 v2, v4;
	_ =	sdelay $0x2  }
0x74: {  	[tilespmem:s24], [sflag:$0x1] =	stream.indirect_vreg.gather [hbm4b:s2+s3], $0x80, v5, vm0, $0xb8;
	[tilespmem:$0x8300] =	vst v63  }
0x75: {  	_ = 	snop  }
0x76: {  	[tilespmem:s25], [sflag:$0x1] =	stream.indirect_vreg.gather [hbm4b:s2+s3], $0x80, v4, vm0, $0xb8;
	[tilespmem:$0x8300] =	vst v63  }
0x77: {  	_ =	swait.ge [sflag:s26], $0x8000  }
0x78: {  	[sflag:s26] =	ssyncset.done $0x0  }
0x79: {  	s15 =	simm.s32 $0x100;
	[sflag:s26] =	ssyncadd.s32 $0xFFFF8000  }
0x7a: {  	v4 =	vld [tilespmem:s15+$0x0];
	_ =	sdelay $0x4  }
0x7b: {  	(v2sf) =	vpush v4, $0xC  }
0x7c: {  	(v2sf) =	vpush v4, $0x8  }
0x7d: {  	(v2sf) =	vpush v4, $0x1  }
0x7e: {  	(v2sf) =	vpush v4, $0x3  }
0x7f: {  	(v2sf) =	vpush v4, $0x2;
	_ =	sdelay $0x1  }
0x80: {  	(v2sf) =	vpush v4, $0x0;
	_ =	sdelay $0x1  }
0x81: {  	(v2sf) =	vpush v4, $0x4;
	_ =	sdelay $0x3  }
0x82: {  	(v2sf) =	vpush v4, $0x5;
	_ =	sdelay $0x2  }
0x83: {  	s0 =	spop (v2sf)  }
0x84: {  	s1 =	spop (v2sf)  }
0x85: {  	s30 =	simm.s32 $0x110;
	(v2sf) =	vpush v4, $0x6;
	s7 =	spop (v2sf)  }
0x86: {  	s8 =	spop (v2sf);
	s10 =	sshll.u32 s7, $0x5;
	s7 =	sshll.u32 s7, $0x2  }
0x87: {  	(v2sf) =	vpush v4, $0x7;
	s11 =	spop (v2sf);
	s12 =	sshll.u32 s8, $0x2;
	s8 =	sshll.u32 s8, $0x5  }
0x88: {  	s17 =	sand.u32 $0x1C0, s7;
	s10 =	sand.u32 $0xFFFFF000, s10;
	s13 =	sshll.u32 s11, $0x5  }
0x89: {  	(v2sf) =	vpush v4, $0x9;
	s31 =	spop (v2sf);
	s12 =	sand.u32 $0x1C0, s12;
	s11 =	sshll.u32 s11, $0x2  }
0x8a: {  	s18 =	sand.u32 $0xFFFFF000, s8;
	s14 =	sshll.u32 s31, $0x5;
	s11 =	sand.u32 $0x1C0, s11  }
0x8b: {  	(v2sf) =	vpush v4, $0xA;
	s31 =	sshll.u32 s31, $0x2;
	s13 =	sand.u32 $0xFFFFF000, s13;
	s20 =	spop (v2sf)  }
0x8c: {  	s7 =	sor.u32 s12, s18;
	s31 =	sand.u32 $0x1C0, s31;
	s11 =	sor.u32 s11, s13  }
0x8d: {  	(v2sf) =	vpush v4, $0xB;
	s16 =	sand.u32 $0xFFFFF000, s14;
	s13 =	sshll.u32 s20, $0x5;
	s14 =	sor.u32 s17, s10  }
0x8e: {  	s7 =	sshra.s32 s7, $0x2;
	s11 =	sshra.s32 s11, $0x2;
	s19 =	sor.u32 s31, s16  }
0x8f: {  	s16 =	spop (v2sf);
	s12 =	sand.u32 $0xFFFFF000, s13;
	s14 =	sshra.s32 s14, $0x2  }
0x90: {  	s7 =	sadd.s32 $0x0, s7;
	s15 =	sadd.s32 $0x0, s11;
	s11 =	sshll.u32 s20, $0x2  }
0x91: {  	s17 =	sshll.u32 s16, $0x5;
	s13 =	sshll.u32 s16, $0x2;
	s8 =	sshra.s32 s19, $0x2  }
0x92: {  	s14 =	sadd.s32 $0x0, s14;
	s13 =	sand.u32 $0x1C0, s13;
	s10 =	sand.u32 $0xFFFFF000, s17  }
0x93: {  	s11 =	sand.u32 $0x1C0, s11;
	s17 =	sadd.s32 $0x0, s8;
	s10 =	sor.u32 s13, s10  }
0x94: {  	s12 =	sor.u32 s11, s12;
	s10 =	sshra.s32 s10, $0x2;
	s31 =	spop (v2sf)  }
0x95: {  	s12 =	sshra.s32 s12, $0x2;
	s10 =	sadd.s32 $0x0, s10;
	s16 =	sshll.u32 s31, $0x2  }
0x96: {  	v6 =	vand.u32 $0xF, v4;
	(v2sf) =	vpush v4, $0xD;
	s19 =	sshll.u32 s31, $0x5;
	s18 =	spop (v2sf);
	s16 =	sand.u32 $0x1C0, s16  }
0x97: {  	v7 =	vbroadcast v6, $0x1;
	v8 =	vbroadcast v6, $0x4;
	(v2sf) =	vpush v4, $0xE;
	s13 =	sand.u32 $0xFFFFF000, s19;
	s31 =	sshll.u32 s18, $0x5;
	s11 =	sshll.u32 s18, $0x2  }
0x98: {  	v10 =	vbroadcast v6, $0x0;
	v14 =	vbroadcast v6, $0x2;
	s20 =	sand.u32 $0xFFFFF000, s31;
	s11 =	sand.u32 $0x1C0, s11;
	s31 =	spop (v2sf)  }
0x99: {  	v15 =	vbroadcast v6, $0x3;
	v22 =	vbroadcast v6, $0x5;
	s8 =	sor.u32 s11, s20;
	s18 =	sshll.u32 s31, $0x5;
	s19 =	sshll.u32 s31, $0x2  }
0x9a: {  	v23 =	vbroadcast v6, $0x9;
	v26 =	vbroadcast v6, $0xB;
	v19 =	vld [tilespmem:s15+$0x380];
	s31 =	spop (v2sf);
	s11 =	sor.u32 s16, s13;
	s18 =	sand.u32 $0xFFFFF000, s18  }
0x9b: {  	v28 =	vbroadcast v6, $0x6;
	v31 =	vbroadcast v6, $0x7;
	v17 =	vld [tilespmem:s17+$0x280];
	s19 =	sand.u32 $0x1C0, s19;
	s20 =	sshll.u32 s31, $0x5;
	s11 =	sshra.s32 s11, $0x2  }
0x9c: {  	v5 =	vld [tilespmem:s30+$0x0];
	v18 =	vbroadcast v6, $0x8;
	v13 =	vbroadcast v6, $0xC;
	s16 =	sor.u32 s19, s18;
	s13 =	sand.u32 $0xFFFFF000, s20;
	s18 =	spop (v2sf);
	(v2sf) =	vpush v4, $0xF  }
0x9d: {  	v20 =	vimm.f32 $0.0e+00;
	v16 =	vbroadcast v6, $0xA;
	v12 =	vbroadcast v6, $0xD;
	s19 =	sshll.u32 s31, $0x2;
	s31 =	simm.s32 $0x4000;
	s11 =	sadd.s32 $0x0, s11  }
0x9e: {  	v11 =	vbroadcast v6, $0xE;
	v9 =	vbroadcast v6, $0xF;
	vm3 =	veq.s32 v14, v0;
	s20 =	sshll.u32 s18, $0x5;
	s17 =	sshll.u32 s18, $0x2;
	s15 =	sand.u32 $0x1C0, s19  }
0x9f: {  	vm1 =	veq.s32 v10, v0;
	vm2 =	veq.s32 v7, v0;
	v10 =	vnsel vm3, $0x0, v19;
	v4 =	vld [tilespmem:s14+$0x300];
	s19 =	sshll.u32 s0, $0x5;
	s0 =	sshll.u32 s0, $0x2;
	s18 =	sand.u32 $0xFFFFF000, s20  }
0xa0: {  	vm3 =	veq.s32 v8, v0;
	v6 =	vnsel vm1, $0x0, v17;
	vm1 =	veq.s32 v15, v0;
	s17 =	sand.u32 $0x1C0, s17;
	s13 =	sor.u32 s15, s13;
	s20 =	sand.u32 $0x1C0, s0  }
0xa1: {  	v24 =	vld [tilespmem:s7+$0x400];
	v17 =	vand.u32 $0xF, v5;
	v6 =	vadd.f32 v6, v20;
	(v2sf) =	vpush v5, $0xC;
	s19 =	sand.u32 $0xFFFFF000, s19;
	s0 =	simm.s32 $0x8000;
	s14 =	sor.u32 s17, s18  }
0xa2: {  	v21 =	vbroadcast v17, $0x1;
	v14 =	vbroadcast v17, $0x4;
	(v2sf) =	vpush v5, $0x8;
	s18 =	sadd.s32 $0x0, s12;
	s12 =	sor.u32 s20, s19;
	s20 =	sshll.u32 s1, $0x5  }
0xa3: {  	v8 =	vld [tilespmem:s10+$0x500];
	v20 =	vbroadcast v17, $0x0;
	v19 =	vbroadcast v17, $0x2;
	s1 =	sshll.u32 s1, $0x2;
	s17 =	sshra.s32 s8, $0x2;
	(v2sf) =	vpush v5, $0x1;
	s15 =	sand.u32 $0xFFFFF000, s20  }
0xa4: {  	v15 =	vbroadcast v17, $0x3;
	v7 =	vld [tilespmem:s18+$0x480];
	s1 =	sand.u32 $0x1C0, s1;
	s18 =	sshra.s32 s16, $0x2;
	s7 =	sadd.s32 $0x0, s17;
	(v2sf) =	vpush v5, $0x3;
	v4 =	vnsel vm2, $0x0, v4  }
0xa5: {  	s19 =	sshra.s32 s14, $0x2;
	s12 =	sshra.s32 s12, $0x2;
	s20 =	spop (v2sf);
	(v2sf) =	vpush v5, $0x2;
	vm2 =	veq.s32 v22, v0;
	v4 =	vadd.f32 v6, v4  }
0xa6: {  	s8 =	sadd.s32 $0x0, s18;
	s1 =	sor.u32 s1, s15;
	v34 =	vld [tilespmem:s7+$0x600];
	v22 =	vnsel vm1, $0x0, v24;
	s14 =	spop (v2sf);
	v24 =	vbroadcast v17, $0x8;
	vm1 =	veq.s32 v28, v0  }
0xa7: {  	s10 =	sshll.u32 s20, $0x2;
	v25 =	vld [tilespmem:s8+$0xB00];
	s8 =	sshra.s32 s13, $0x2;
	s13 =	sadd.s32 $0x0, s19;
	v6 =	vbroadcast v17, $0x9;
	(v2sf) =	vpush v5, $0x0;
	v29 =	vadd.f32 v4, v10  }
0xa8: {  	v32 =	vnsel vm2, $0x0, v8;
	s1 =	sshra.s32 s1, $0x2;
	vm2 =	veq.s32 v23, v0;
	v8 =	vbroadcast v17, $0x7;
	s10 =	sand.u32 $0x1C0, s10;
	s15 =	sshll.u32 s14, $0x5;
	v33 =	vld [tilespmem:s13+$0xC00]  }
0xa9: {  	v23 =	vbroadcast v17, $0xC;
	s16 =	sshll.u32 s14, $0x2;
	s13 =	sshll.u32 s20, $0x5;
	s1 =	sadd.s32 $0x0, s1;
	(v2sf) =	vpush v5, $0x4;
	v35 =	vadd.f32 v29, v22  }
0xaa: {  	v30 =	vld [tilespmem:s11+$0x580];
	s18 =	sand.u32 $0x1C0, s16;
	s20 =	sadd.s32 $0x0, s8;
	v4 =	vbroadcast v17, $0xB;
	v10 =	vbroadcast v17, $0x6;
	s7 =	sand.u32 $0xFFFFF000, s13;
	v27 =	vnsel vm3, $0x0, v7  }
0xab: {  	v28 =	vld [tilespmem:s20+$0xB80];
	v7 =	vbroadcast v17, $0x5;
	s10 =	sor.u32 s10, s7;
	s7 =	sand.u32 $0xFFFFF000, s15;
	vm3 =	veq.s32 v31, v0;
	v35 =	vadd.f32 v35, v27;
	s17 =	spop (v2sf)  }
0xac: {  	s12 =	sadd.s32 $0x0, s12;
	v29 =	vld [tilespmem:s1+$0xA80];
	v22 =	vbroadcast v17, $0xA;
	s7 =	sor.u32 s18, s7;
	v25 =	vnsel vm2, $0x0, v25;
	vm2 =	veq.s32 v26, v0;
	s19 =	sshll.u32 s17, $0x5  }
0xad: {  	s1 =	simm.s32 $0x0;
	v31 =	vnsel vm3, $0x0, v34;
	v27 =	vld [tilespmem:s12+$0xC80];
	v26 =	vnsel vm2, $0x0, v33;
	v32 =	vadd.f32 v35, v32;
	s11 =	sshll.u32 s17, $0x2;
	s8 =	sand.u32 $0xFFFFF000, s19  }
.LBB2_2:
0xae: {  	p0 =	sne.s32 s0, $0x1C000  }
0xaf: {  	s10 =	sshra.s32 s10, $0x2;
	s12 =	smov.u32 s31;
	s31 =	smov.u32 s0  }
0xb0: {  	v33 =	vbroadcast v17, $0xD;
	(v2sf) =	vpush v5, $0x5;
	v30 =	vnsel vm1, $0x0, v30;
	s0 =	sadd.s32 $0x4000, s0;
	s14 =	smov.u32 s1;
	s30 =	sadd.s32 $0x10, s30  }
0xb1: {  	v34 =	vbroadcast v17, $0xE;
	v17 =	vbroadcast v17, $0xF;
	s11 =	sand.u32 $0x1C0, s11;
	s1 =	sshra.s32 s12, $0x2;
	v30 =	vadd.f32 v32, v30;
	s10 =	sadd.s32 s14, s10  }
0xb2: {  	vm1 =	veq.s32 v18, v0;
	vm2 =	veq.s32 v13, v0;
	v18 =	vmovc v24;
	v13 =	vmov v23;
	s8 =	sor.u32 s11, s8;
	s12 =	spop (v2sf);
	v32 =	vld [tilespmem:s10+$0xD00];
	s10 =	sshra.s32 s7, $0x2  }
0xb3: {  	v24 =	vnsel vm1, $0x0, v29;
	s7 =	sshll.u32 s12, $0x5;
	(v2sf) =	vpush v5, $0x6;
	s15 =	spop (v2sf);
	v23 =	vadd.f32 v30, v31;
	s10 =	sadd.s32 s14, s10  }
0xb4: {  	s12 =	sshll.u32 s12, $0x2;
	v27 =	vnsel vm2, $0x0, v27;
	s16 =	sshll.u32 s15, $0x5;
	s17 =	spop (v2sf)  }
0xb5: {  	s8 =	sshra.s32 s8, $0x2;
	s13 =	sshll.u32 s17, $0x5;
	s18 =	spop (v2sf);
	(v2sf) =	vpush v5, $0x7;
	v23 =	vadd.f32 v23, v24;
	v24 =	vld [tilespmem:s10+$0xD80]  }
0xb6: {  	s7 =	sand.u32 $0xFFFFF000, s7;
	s10 =	sshll.u32 s18, $0x2;
	s11 =	spop (v2sf)  }
0xb7: {  	vm1 =	veq.s32 v16, v0;
	v16 =	vmov v22;
	s19 =	sshll.u32 s11, $0x5;
	s20 =	sand.u32 $0x1C0, s10;
	v23 =	vadd.f32 v23, v25;
	s10 =	sadd.s32 s14, s8  }
0xb8: {  	v22 =	vnsel vm1, $0x0, v28;
	s11 =	sshll.u32 s11, $0x2;
	s8 =	sand.u32 $0xFFFFF000, s16;
	s14 =	spop (v2sf);
	v25 =	vld [tilespmem:s10+$0xE00]  }
0xb9: {  	s11 =	sand.u32 $0x1C0, s11;
	s10 =	sshll.u32 s15, $0x2;
	s16 =	sshll.u32 s14, $0x5;
	v22 =	vadd.f32 v23, v22  }
0xba: {  	s15 =	sand.u32 $0xFFFFF000, s19;
	s14 =	sshll.u32 s14, $0x2;
	s10 =	sand.u32 $0x1C0, s10;
	(v2sf) =	vpush v5, $0x9  }
0xbb: {  	s17 =	sshll.u32 s17, $0x2;
	s11 =	sor.u32 s11, s15;
	s14 =	sand.u32 $0x1C0, s14;
	v22 =	vadd.f32 v22, v26  }
0xbc: {  	s15 =	sand.u32 $0xFFFFF000, s16;
	s16 =	sand.u32 $0x1C0, s17;
	s11 =	sshra.s32 s11, $0x2  }
0xbd: {  	vm2 =	veq.s32 v12, v0;
	v12 =	vmovc v33;
	s18 =	sshll.u32 s18, $0x5;
	s17 =	sadd.s32 s1, s11;
	s11 =	sand.u32 $0x1C0, s12;
	(v2sf) =	vpush v5, $0xA;
	v22 =	vadd.f32 v22, v27  }
0xbe: {  	vm1 =	veq.s32 v21, v0;
	v21 =	vnsel vm2, $0x0, v32;
	s14 =	sor.u32 s14, s15;
	s12 =	sand.u32 $0xFFFFF000, s18;
	s15 =	spop (v2sf)  }
0xbf: {  	vm2 =	veq.s32 v11, v0;
	v11 =	vmov v34;
	s12 =	sor.u32 s20, s12;
	s18 =	sshll.u32 s15, $0x5;
	s19 =	spop (v2sf);
	v21 =	vadd.f32 v22, v21  }
0xc0: {  	s13 =	sand.u32 $0xFFFFF000, s13;
	v23 =	vnsel vm2, $0x0, v24;
	s15 =	sshll.u32 s15, $0x2;
	v22 =	vld [tilespmem:s17+$0x380];
	s17 =	sand.u32 $0xFFFFF000, s18;
	(v2sf) =	vpush v5, $0xB  }
0xc1: {  	vm2 =	veq.s32 v9, v0;
	v9 =	vmov v17;
	s13 =	sor.u32 s16, s13;
	s16 =	sshll.u32 s19, $0x5;
	s18 =	sshll.u32 s19, $0x2;
	v21 =	vadd.f32 v21, v23  }
0xc2: {  	s14 =	sshra.s32 s14, $0x2;
	v17 =	vnsel vm2, $0x0, v25;
	s18 =	sand.u32 $0x1C0, s18;
	s19 =	spop (v2sf)  }
0xc3: {  	vm2 =	veq.s32 v20, v0;
	s15 =	sand.u32 $0x1C0, s15;
	s16 =	sand.u32 $0xFFFFF000, s16;
	s20 =	sshll.u32 s19, $0x2;
	v17 =	vadd.f32 v21, v17  }
0xc4: {  	vm3 =	veq.s32 v19, v0;
	s15 =	sor.u32 s15, s17;
	s16 =	sor.u32 s18, s16;
	s17 =	spop (v2sf)  }
0xc5: {  	s15 =	sshra.s32 s15, $0x2;
	s18 =	sshll.u32 s19, $0x5;
	s19 =	sand.u32 $0x1C0, s20;
	v22 =	vnsel vm3, $0x0, v22  }
0xc6: {  	s14 =	sadd.s32 s1, s14;
	s20 =	sshll.u32 s17, $0x5;
	s17 =	sshll.u32 s17, $0x2;
	(v2sf) =	vpush v5, $0xD  }
0xc7: {  	s16 =	sshra.s32 s16, $0x2;
	s20 =	sand.u32 $0xFFFFF000, s20;
	s17 =	sand.u32 $0x1C0, s17;
	(v2sf) =	vpush v5, $0xE  }
0xc8: {  	s13 =	sshra.s32 s13, $0x2;
	s17 =	sor.u32 s17, s20;
	v19 =	vld [tilespmem:s14+$0x280];
	s14 =	sand.u32 $0xFFFFF000, s18  }
0xc9: {  	s13 =	sadd.s32 s1, s13;
	vm3 =	veq.s32 v14, v0;
	s17 =	sshra.s32 s17, $0x2;
	s18 =	spop (v2sf);
	(v2sf) =	vpush v5, $0xF;
	v5 =	vld [tilespmem:s30+$0x0]  }
0xca: {  	v14 =	vld [tilespmem:s13+$0x300];
	s13 =	sadd.s32 s1, s15;
	s15 =	sadd.s32 s1, s17;
	s17 =	sshll.u32 s18, $0x5  }
0xcb: {  	s16 =	sadd.s32 s1, s16;
	v28 =	vld [tilespmem:s15+$0x600];
	s15 =	sand.u32 $0xFFFFF000, s17;
	s17 =	sshll.u32 s18, $0x2  }
0xcc: {  	s12 =	sshra.s32 s12, $0x2;
	v23 =	vld [tilespmem:s13+$0x480];
	s13 =	sand.u32 $0x1C0, s17;
	s17 =	spop (v2sf)  }
0xcd: {  	s14 =	sor.u32 s19, s14;
	v19 =	vnsel vm2, $0x0, v19;
	v24 =	vld [tilespmem:s16+$0x500];
	s13 =	sor.u32 s13, s15;
	s15 =	sshll.u32 s17, $0x5  }
0xce: {  	s14 =	sshra.s32 s14, $0x2;
	vm2 =	veq.s32 v15, v0;
	v19 =	vadd.f32 v19, v17;
	s13 =	sshra.s32 s13, $0x2;
	s15 =	sand.u32 $0xFFFFF000, s15  }
0xcf: {  	s12 =	sadd.s32 s1, s12;
	v17 =	vand.u32 $0xF, v5;
	(v2sf) =	vpush v5, $0xC;
	v15 =	vnsel vm1, $0x0, v14;
	s13 =	sadd.s32 s1, s13;
	s16 =	spop (v2sf)  }
0xd0: {  	v21 =	vbroadcast v17, $0x1;
	v14 =	vbroadcast v17, $0x4;
	(v2sf) =	vpush v5, $0x8;
	v25 =	vld [tilespmem:s13+$0xB00];
	s13 =	sshll.u32 s17, $0x2;
	s17 =	sshll.u32 s16, $0x5;
	s16 =	sshll.u32 s16, $0x2  }
0xd1: {  	v20 =	vbroadcast v17, $0x0;
	v26 =	vadd.f32 v19, v15;
	(v2sf) =	vpush v5, $0x1;
	v27 =	vld [tilespmem:s12+$0x400];
	s12 =	sand.u32 $0x1C0, s13;
	s13 =	sand.u32 $0xFFFFF000, s17;
	s16 =	sand.u32 $0x1C0, s16  }
0xd2: {  	s8 =	sor.u32 s10, s8;
	v19 =	vbroadcast v17, $0x2;
	v31 =	vnsel vm3, $0x0, v23;
	(v2sf) =	vpush v5, $0x3;
	s12 =	sor.u32 s12, s15;
	s13 =	sor.u32 s16, s13  }
0xd3: {  	s7 =	sor.u32 s11, s7;
	v15 =	vbroadcast v17, $0x3;
	v22 =	vadd.f32 v26, v22;
	(v2sf) =	vpush v5, $0x2;
	s12 =	sshra.s32 s12, $0x2;
	s13 =	sshra.s32 s13, $0x2  }
0xd4: {  	s7 =	sshra.s32 s7, $0x2;
	s11 =	sadd.s32 s1, s14;
	vm1 =	veq.s32 v7, v0;
	v7 =	vbroadcast v17, $0x5;
	v23 =	vbroadcast v17, $0x9;
	s13 =	sadd.s32 s1, s13  }
0xd5: {  	s8 =	sshra.s32 s8, $0x2;
	s7 =	sadd.s32 s1, s7;
	v32 =	vnsel vm1, $0x0, v24;
	vm1 =	veq.s32 v6, v0;
	(v2sf) =	vpush v5, $0x0;
	v26 =	vld [tilespmem:s13+$0xC00];
	s10 =	spop (v2sf)  }
0xd6: {  	s8 =	sadd.s32 s1, s8;
	v33 =	vbroadcast v17, $0xB;
	v6 =	vmovc v23;
	v25 =	vnsel vm1, $0x0, v25;
	v24 =	vnsel vm2, $0x0, v27;
	v30 =	vld [tilespmem:s11+$0x580];
	s11 =	sshll.u32 s10, $0x5;
	s13 =	spop (v2sf)  }
.Ltmp0:
0xd7: {  	v34 =	vbroadcast v17, $0x6;
	v35 =	vbroadcast v17, $0x7;
	s10 =	sshll.u32 s10, $0x2;
	v27 =	vadd.f32 v22, v24;
	s11 =	sand.u32 $0xFFFFF000, s11;
	(pc) =	sbr.rel @p0 .LBB2_2-.Ltmp0, $4  }
0xd8: {  	v23 =	vbroadcast v17, $0xC;
	v24 =	vbroadcast v17, $0x8;
	v29 =	vld [tilespmem:s8+$0xA80];
	s8 =	sshll.u32 s13, $0x5;
	s13 =	sshll.u32 s13, $0x2;
	s14 =	spop (v2sf)  }
0xd9: {  	vm2 =	veq.s32 v4, v0;
	v4 =	vmovc v33;
	v22 =	vbroadcast v17, $0xA;
	s10 =	sand.u32 $0x1C0, s10;
	v31 =	vadd.f32 v27, v31;
	s13 =	sand.u32 $0x1C0, s13;
	s15 =	sshll.u32 s14, $0x5  }
0xda: {  	vm3 =	veq.s32 v8, v0;
	v8 =	vmovc v35;
	s12 =	sadd.s32 s1, s12;
	vm1 =	veq.s32 v10, v0;
	v10 =	vmovc v34;
	s10 =	sor.u32 s10, s11;
	v26 =	vnsel vm2, $0x0, v26;
	v27 =	vld [tilespmem:s7+$0xC80];
	s7 =	sand.u32 $0xFFFFF000, s8  }
0xdb: {  	s11 =	sshll.u32 s14, $0x2;
	s8 =	sand.u32 $0xFFFFF000, s15;
	(v2sf) =	vpush v5, $0x4;
	v32 =	vadd.f32 v31, v32;
	v31 =	vnsel vm3, $0x0, v28;
	v28 =	vld [tilespmem:s12+$0xB80];
	s7 =	sor.u32 s13, s7  }
0xdc: {  	s10 =	sshra.s32 s10, $0x2  }
0xdd: {  	s0 =	sshra.s32 s31, $0x2;
	s13 =	sshra.s32 s7, $0x2;
	s11 =	sand.u32 $0x1C0, s11  }
0xde: {  	s12 =	sadd.s32 s1, s10;
	s8 =	sor.u32 s11, s8;
	s30 =	spop (v2sf)  }
0xdf: {  	v30 =	vnsel vm1, $0x0, v30;
	s13 =	sadd.s32 s1, s13;
	s8 =	sshra.s32 s8, $0x2;
	s14 =	spop (v2sf)  }
0xe0: {  	(v2sf) =	vpush v5, $0x5;
	v30 =	vadd.f32 v32, v30;
	s7 =	sshll.u32 s30, $0x5;
	s17 =	sshll.u32 s30, $0x2;
	s30 =	sadd.s32 s1, s8  }
0xe1: {  	s15 =	spop (v2sf);
	s16 =	sshll.u32 s14, $0x5;
	s14 =	sshll.u32 s14, $0x2  }
0xe2: {  	vm1 =	veq.s32 v18, v0;
	(v2sf) =	vpush v5, $0x6;
	v33 =	vadd.f32 v30, v31;
	s7 =	sand.u32 $0xFFFFF000, s7;
	s18 =	spop (v2sf);
	s19 =	sshll.u32 s15, $0x5  }
0xe3: {  	v29 =	vnsel vm1, $0x0, v29;
	s8 =	sand.u32 $0xFFFFF000, s16;
	s15 =	sshll.u32 s15, $0x2;
	s10 =	spop (v2sf)  }
0xe4: {  	(v2sf) =	vpush v5, $0x7;
	v18 =	vadd.f32 v33, v29;
	s31 =	sshll.u32 s18, $0x2;
	s20 =	sshll.u32 s10, $0x5;
	s10 =	sshll.u32 s10, $0x2  }
0xe5: {  	v34 =	vld [tilespmem:s12+$0xD00];
	s12 =	sand.u32 $0x1C0, s15;
	s11 =	sand.u32 $0x1C0, s31;
	s1 =	sand.u32 $0x1C0, s10  }
0xe6: {  	vm1 =	veq.s32 v16, v0;
	(v2sf) =	vpush v5, $0x9;
	v18 =	vadd.f32 v18, v25;
	s16 =	sand.u32 $0xFFFFF000, s20;
	s20 =	spop (v2sf);
	s10 =	sand.u32 $0x1C0, s14  }
0xe7: {  	v16 =	vnsel vm1, $0x0, v28;
	s1 =	sor.u32 s1, s16;
	s31 =	sshll.u32 s20, $0x5;
	s16 =	sshll.u32 s20, $0x2  }
0xe8: {  	v16 =	vadd.f32 v18, v16;
	s20 =	sshll.u32 s18, $0x5;
	s8 =	sor.u32 s10, s8;
	s16 =	sand.u32 $0x1C0, s16  }
0xe9: {  	s31 =	sand.u32 $0xFFFFF000, s31;
	s1 =	sshra.s32 s1, $0x2;
	s15 =	sand.u32 $0xFFFFF000, s20  }
0xea: {  	v35 =	vld [tilespmem:s13+$0xD80];
	vm1 =	veq.s32 v13, v0;
	s20 =	sand.u32 $0xFFFFF000, s19;
	s8 =	sshra.s32 s8, $0x2;
	s18 =	sadd.s32 s0, s1;
	v16 =	vadd.f32 v16, v26  }
0xeb: {  	v36 =	vnsel vm1, $0x0, v27;
	s1 =	sand.u32 $0x1C0, s17;
	s13 =	sor.u32 s16, s31;
	s12 =	sor.u32 s12, s20  }
0xec: {  	v37 =	vld [tilespmem:s30+$0xE00];
	vm1 =	veq.s32 v12, v0;
	(v2sf) =	vpush v5, $0xA;
	s11 =	sor.u32 s11, s15;
	s13 =	sshra.s32 s13, $0x2;
	s12 =	sshra.s32 s12, $0x2;
	v16 =	vadd.f32 v16, v36  }
0xed: {  	v12 =	vnsel vm1, $0x0, v34;
	s11 =	sshra.s32 s11, $0x2;
	s13 =	sadd.s32 s0, s13;
	s31 =	spop (v2sf)  }
0xee: {  	vm1 =	veq.s32 v11, v0;
	(v2sf) =	vpush v5, $0xB;
	s12 =	sadd.s32 s0, s12;
	s11 =	sadd.s32 s0, s11;
	v38 =	vld [tilespmem:s13+$0x280];
	s17 =	sshll.u32 s31, $0x5;
	v12 =	vadd.f32 v16, v12  }
0xef: {  	v13 =	vnsel vm1, $0x0, v35;
	s16 =	spop (v2sf);
	s14 =	sshll.u32 s31, $0x2;
	s15 =	sand.u32 $0xFFFFF000, s17  }
0xf0: {  	vm1 =	veq.s32 v9, v0;
	v39 =	vld [tilespmem:s12+$0x300];
	s31 =	sshll.u32 s16, $0x2;
	s16 =	sshll.u32 s16, $0x5;
	s14 =	sand.u32 $0x1C0, s14;
	v12 =	vadd.f32 v12, v13  }
0xf1: {  	v40 =	vnsel vm1, $0x0, v37;
	s17 =	sand.u32 $0x1C0, s31;
	s19 =	spop (v2sf);
	s16 =	sand.u32 $0xFFFFF000, s16  }
0xf2: {  	vm1 =	veq.s32 v20, v0;
	v41 =	vld [tilespmem:s18+$0x380];
	s14 =	sor.u32 s14, s15;
	(v2sf) =	vpush v5, $0xD;
	s31 =	sshll.u32 s19, $0x2;
	s20 =	sor.u32 s17, s16;
	v12 =	vadd.f32 v12, v40  }
0xf3: {  	s30 =	spop (v2sf);
	s14 =	sshra.s32 s14, $0x2;
	s13 =	sshll.u32 s19, $0x5;
	v11 =	vnsel vm1, $0x0, v38  }
0xf4: {  	v42 =	vld [tilespmem:s11+$0x400];
	(v2sf) =	vpush v5, $0xE;
	s16 =	sand.u32 $0x1C0, s31;
	s31 =	sshll.u32 s30, $0x5;
	s15 =	sshll.u32 s30, $0x2;
	vm1 =	veq.s32 v21, v0;
	v11 =	vadd.f32 v11, v12  }
0xf5: {  	s12 =	sshra.s32 s20, $0x2;
	s19 =	spop (v2sf);
	s14 =	sadd.s32 s0, s14;
	v9 =	vnsel vm1, $0x0, v39  }
0xf6: {  	s13 =	sand.u32 $0xFFFFF000, s13;
	(v2sf) =	vpush v5, $0xF;
	s17 =	sand.u32 $0xFFFFF000, s31;
	s15 =	sand.u32 $0x1C0, s15;
	vm1 =	veq.s32 v19, v0;
	v5 =	vld [tilespmem:s14+$0x480];
	v9 =	vadd.f32 v11, v9  }
0xf7: {  	s20 =	sshll.u32 s19, $0x5;
	s12 =	sadd.s32 s0, s12;
	s13 =	sor.u32 s16, s13;
	v43 =	vnsel vm1, $0x0, v41  }
0xf8: {  	s30 =	sshll.u32 s19, $0x2;
	s18 =	sor.u32 s15, s17;
	v44 =	vld [tilespmem:s12+$0x500];
	vm1 =	veq.s32 v15, v0;
	s16 =	sshra.s32 s13, $0x2;
	v9 =	vadd.f32 v9, v43  }
0xf9: {  	s31 =	sand.u32 $0xFFFFF000, s20;
	s14 =	sand.u32 $0x1C0, s30;
	s12 =	sadd.s32 s0, s16;
	v45 =	vnsel vm1, $0x0, v42  }
0xfa: {  	s8 =	sadd.s32 s0, s8;
	s11 =	sshra.s32 s18, $0x2;
	s14 =	sor.u32 s14, s31;
	vm1 =	veq.s32 v14, v0;
	v46 =	vld [tilespmem:s12+$0x580];
	v9 =	vadd.f32 v9, v45  }
0xfb: {  	s17 =	spop (v2sf);
	s11 =	sadd.s32 s0, s11;
	s14 =	sshra.s32 s14, $0x2;
	v5 =	vnsel vm1, $0x0, v5  }
0xfc: {  	s1 =	sor.u32 s1, s7;
	s18 =	sshll.u32 s17, $0x5;
	s14 =	sadd.s32 s0, s14;
	v47 =	vld [tilespmem:s11+$0x600];
	vm1 =	veq.s32 v7, v0;
	v5 =	vadd.f32 v9, v5  }
0xfd: {  	s20 =	spop (v2sf);
	s30 =	sshll.u32 s17, $0x2;
	s19 =	sand.u32 $0xFFFFF000, s18;
	v7 =	vnsel vm1, $0x0, v44  }
0xfe: {  	v48 =	vld [tilespmem:s8+$0xA80];
	s31 =	sshll.u32 s20, $0x5;
	s10 =	sshll.u32 s20, $0x2;
	s11 =	sand.u32 $0x1C0, s30;
	vm1 =	veq.s32 v10, v0;
	v5 =	vadd.f32 v5, v7  }
0xff: {  	s13 =	sand.u32 $0xFFFFF000, s31;
	s10 =	sand.u32 $0x1C0, s10;
	s11 =	sor.u32 s11, s19;
	v49 =	vnsel vm1, $0x0, v46  }
0x100: {  	s1 =	sshra.s32 s1, $0x2;
	v50 =	vld [tilespmem:s14+$0xB00];
	s10 =	sor.u32 s10, s13;
	s8 =	sshra.s32 s11, $0x2;
	vm1 =	veq.s32 v8, v0;
	v5 =	vadd.f32 v5, v49  }
0x101: {  	s10 =	sshra.s32 s10, $0x2;
	s8 =	sadd.s32 s0, s8;
	v51 =	vnsel vm1, $0x0, v47;
	s12 =	spop (v2sf)  }
0x102: {  	s1 =	sadd.s32 s0, s1;
	s10 =	sadd.s32 s0, s10;
	v52 =	vld [tilespmem:s8+$0xB80];
	vm1 =	veq.s32 v24, v0;
	s13 =	sshll.u32 s12, $0x5;
	v5 =	vadd.f32 v5, v51  }
0x103: {  	v53 =	vnsel vm1, $0x0, v48;
	s14 =	spop (v2sf);
	s7 =	sshll.u32 s12, $0x2;
	s11 =	sand.u32 $0xFFFFF000, s13  }
0x104: {  	vm1 =	veq.s32 v6, v0;
	v54 =	vld [tilespmem:s10+$0xC00];
	s15 =	sshll.u32 s14, $0x5;
	s8 =	sshll.u32 s14, $0x2;
	s7 =	sand.u32 $0x1C0, s7;
	v5 =	vadd.f32 v5, v53  }
0x105: {  	v55 =	vnsel vm1, $0x0, v50;
	s16 =	spop (v2sf);
	s8 =	sand.u32 $0x1C0, s8;
	s7 =	sor.u32 s7, s11  }
0x106: {  	v56 =	vld [tilespmem:s1+$0xC80];
	vm1 =	veq.s32 v22, v0;
	s17 =	sshll.u32 s16, $0x5;
	s18 =	sand.u32 $0xFFFFF000, s15;
	s7 =	sshra.s32 s7, $0x2;
	v5 =	vadd.f32 v5, v55  }
0x107: {  	v57 =	vnsel vm1, $0x0, v52;
	s19 =	sshll.u32 s16, $0x2;
	s1 =	sor.u32 s8, s18;
	s7 =	sadd.s32 s0, s7  }
0x108: {  	vm1 =	veq.s32 v4, v0;
	s20 =	sand.u32 $0xFFFFF000, s17;
	s30 =	sand.u32 $0x1C0, s19;
	s1 =	sshra.s32 s1, $0x2;
	v4 =	vld [tilespmem:s7+$0xD00];
	v5 =	vadd.f32 v5, v57  }
0x109: {  	v6 =	vnsel vm1, $0x0, v54;
	s1 =	sadd.s32 s0, s1;
	s7 =	sor.u32 s30, s20  }
0x10a: {  	v58 =	vbroadcast v17, $0xD;
	vm1 =	veq.s32 v23, v0;
	v59 =	vld [tilespmem:s1+$0xD80];
	s31 =	sshra.s32 s7, $0x2;
	v5 =	vadd.f32 v5, v6  }
0x10b: {  	v60 =	vnsel vm1, $0x0, v56;
	s0 =	sadd.s32 s0, s31  }
0x10c: {  	v61 =	vbroadcast v17, $0xE;
	vm1 =	veq.s32 v58, v0;
	v62 =	vld [tilespmem:s0+$0xE00];
	v5 =	vadd.f32 v5, v60  }
0x10d: {  	v4 =	vnsel vm1, $0x0, v4  }
0x10e: {  	v63 =	vbroadcast v17, $0xF;
	vm1 =	veq.s32 v61, v0;
	v4 =	vadd.f32 v5, v4  }
0x10f: {  	v5 =	vnsel vm1, $0x0, v59  }
0x110: {  	vm1 =	veq.s32 v63, v0;
	v4 =	vadd.f32 v4, v5  }
0x111: {  	v5 =	vnsel vm1, $0x0, v62  }
0x112: {  	s29 =	sadd.s32 $0x1, s29;
	v4 =	vadd.f32 v4, v5  }
0x113: {  	p0 =	sne.s32 s29, s6  }
.Ltmp1:
0x114: {  	[tilespmem:$0x8280] =	vst v4;
	(pc) =	sbr.rel @p0 .LBB2_1-.Ltmp1, $4  }
0x115: {  	[hbm4b:s5+s3] =	stream.linear.scatter [tilespmem:s28], [sflag:$0x2], $0x80, $0x38;
	[tilespmem:$0x8300] =	vst v63  }
0x116: {  	_ =	swait.ge [sflag:s9], $0x80  }
0x117: {  	[sflag:s9] =	ssyncset.done $0x0  }
0x118: {  	[sflag:s9] =	ssyncadd.s32 $0xFFFFFF80  }
0x119: {  	_ =	sfence.sel $0x180000  }
0x11a: {  	[bflag:$0x0] =	sbarrier.arrive $0xFFFF  }
0x11b: {  	_ =	strace $0x90000047  }
0x11c: {  	s0 =	stileid.u32;
	[bflag:$0x2] =	sbarrier.arrive $0xFFFF  }
0x11d: {  	p0 =	sne.s32 s0, $0x0;
	s0 =	rddreg [dreg:$0x3]  }
0x11e: {  	s0 =	sadd.s32 @!p0 $0x100000, s0  }
0x11f: {  	[sflag:s0] =	ssyncadd.tile.s32 @!p0 $0x1;
	_ =	shalt  }
.Lfunc_end2:
_tile_overlayer_lowered:
.L_overlay_start_2:
0x120: {  	(tag) =	ssettag $0x2  }
0x121: {  	s0 =	rddreg [dreg:$0x0];
	s2 =	stileid.u32  }
0x122: {  	s1 =	rddreg [dreg:$0x1];
	p0 =	sne.s32 s2, $0x0  }
0x123: {  	s3 =	rddreg [dreg:$0x2];
	[bflag:$0x3] =	sbarrier.arrive $0xFFFF;
	s2 =	simm.s32 @!p0 $0x1C02  }
0x124: {  	[timem:s3], [sflag:s2] =	dma.local @!p0 [hbm:s0], s1  }
0x125: {  	s0 =	simm.s32 @!p0 $0x2  }
0x126: {  	_ =	swait.ge @!p0 [sflag:s0], s1  }
0x127: {  	s1 =	ssub.s32 @!p0 $0x0, s1;
	[sflag:s0] =	ssyncset.done @!p0 $0x0  }
0x128: {  	[sflag:s0] =	ssyncadd.s32 @!p0 s1  }
0x129: {  	[bflag:$0x3] =	sbarrier.arrive $0xFFFF  }
0x12a: {  	_ =	shalt  }

</sc_bundles>
